<compile_context>
chip_gen: v7x
topology: tpu7x:2x2x1
jax: 0.10.2.dev20260603
libtpu: 0.0.44.dev20260713+nightly
codegen_flags: <defaults>
</compile_context>

<pallas_src>
import functools

import jax
import jax.numpy as jnp
from jax.experimental import pallas as pl
from jax.experimental.pallas import tpu as pltpu
from jax.experimental.pallas import tpu_sc as plsc

_PRE_TOP_K = 1000
_KEEP_TOP_K = 100
_IOU_THR = 0.65
_SCORE_THR = 0.25
_N = 20000
_NP = 20480
_ROWS = 160
_C = 80
_BN = 2000
_TOPP = 1024


def _dense_body(cls_ref, bb_ref, pr_ref, st_ref, tab_ref, sc_ref):
    s = jax.nn.sigmoid(cls_ref[...])
    m = jnp.max(s, axis=1, keepdims=True)
    iota = jax.lax.broadcasted_iota(jnp.int32, s.shape, 1).astype(jnp.float32)
    lab = jnp.min(jnp.where(s == m, iota, jnp.float32(_C)), axis=1,
                  keepdims=True)

    stride = st_ref[...]
    p0, p1, p2, p3 = (pr_ref[:, 0:1], pr_ref[:, 1:2],
                      pr_ref[:, 2:3], pr_ref[:, 3:4])
    xc = (p0 + p2) * 0.5
    yc = (p1 + p3) * 0.5
    w = p2 - p0
    h = p3 - p1
    bb = jax.nn.sigmoid(bb_ref[...])
    sx, sy, sw, sh = bb[:, 0:1], bb[:, 1:2], bb[:, 2:3], bb[:, 3:4]
    xcp = (sx - 0.5) * 2.0 * stride + xc
    ycp = (sy - 0.5) * 2.0 * stride + yc
    wp = (sw * 2.0) ** 2 * w
    hp = (sh * 2.0) ** 2 * h
    x1 = xcp - wp * 0.5
    y1 = ycp - hp * 0.5
    x2 = xcp + wp * 0.5
    y2 = ycp + hp * 0.5
    zero = jnp.zeros_like(m)
    tab_ref[...] = jnp.concatenate(
        [x1, y1, x2, y2, m, lab] + [zero] * 10, axis=1)
    sc_ref[...] = m


def _dense_stage(cls2d, bb4, pr4, stcol):
    grid = _N // _BN
    return pl.pallas_call(
        _dense_body,
        grid=(grid,),
        in_specs=[pl.BlockSpec((_BN, _C), lambda i: (i, 0)),
                  pl.BlockSpec((_BN, 4), lambda i: (i, 0)),
                  pl.BlockSpec((_BN, 4), lambda i: (i, 0)),
                  pl.BlockSpec((_BN, 1), lambda i: (i, 0))],
        out_specs=[pl.BlockSpec((_BN, 16), lambda i: (i, 0)),
                   pl.BlockSpec((_BN, 1), lambda i: (i, 0))],
        out_shape=[jax.ShapeDtypeStruct((_N, 16), jnp.float32),
                   jax.ShapeDtypeStruct((_N, 1), jnp.float32)],
    )(cls2d, bb4, pr4, stcol)


def _select_body(s_ref, dest_ref):
    xb = jax.lax.bitcast_convert_type(s_ref[...], jnp.int32)

    def bs_body(_, lohi):
        lo, hi = lohi
        mid = (lo + hi) >> 1
        cnt = jnp.sum((xb >= mid).astype(jnp.int32))
        ge = cnt >= _PRE_TOP_K
        return (jnp.where(ge, mid, lo), jnp.where(ge, hi, mid))

    lo, hi = jax.lax.fori_loop(
        0, 30, bs_body, (jnp.int32(0), jnp.int32(0x40000000)))
    t = lo
    cnt_gt = jnp.sum((xb > t).astype(jnp.int32))
    m = (_PRE_TOP_K - cnt_gt).astype(jnp.float32)

    gt = (xb > t).astype(jnp.float32)
    eq = (xb == t).astype(jnp.float32)

    i0r = jax.lax.broadcasted_iota(jnp.int32, (_ROWS, _ROWS), 0)
    i1r = jax.lax.broadcasted_iota(jnp.int32, (_ROWS, _ROWS), 1)
    t160 = (i1r < i0r).astype(jnp.float32)
    i0c = jax.lax.broadcasted_iota(jnp.int32, (128, 128), 0)
    i1c = jax.lax.broadcasted_iota(jnp.int32, (128, 128), 1)
    ut128 = (i0c < i1c).astype(jnp.float32)
    ones = jnp.ones((128, 1), jnp.float32)

    def prefix(mk):
        offs = jnp.dot(jnp.dot(t160, mk, preferred_element_type=jnp.float32),
                       ones, preferred_element_type=jnp.float32)
        rowp = jnp.dot(mk, ut128, preferred_element_type=jnp.float32)
        return offs + rowp

    pgt = prefix(gt)
    peq = prefix(eq)
    keep = (gt > 0.0) | ((eq > 0.0) & (peq < m))
    pos = pgt + jnp.minimum(peq, m)
    dest_ref[...] = jnp.where(keep, pos.astype(jnp.int32), -1)


def _select_stage(s2d):
    return pl.pallas_call(
        _select_body,
        in_specs=[pl.BlockSpec((_ROWS, 128), lambda: (0, 0))],
        out_specs=pl.BlockSpec((_ROWS, 128), lambda: (0, 0)),
        out_shape=jax.ShapeDtypeStruct((_ROWS, 128), jnp.int32),
    )(s2d)


_SLOTS = _TOPP // 32


def _compact_body(dest_hbm, tabp_hbm, tab1k_hbm, rows8_hbm,
                  dest_v, srcbuf, rows_v, fld_v, sem):
    wid = jax.lax.axis_index("s") * 2 + jax.lax.axis_index("c")
    base = wid * _SLOTS
    pltpu.sync_copy(dest_hbm, dest_v)
    for q in range(_SLOTS // 16):
        srcbuf[pl.ds(q * 16, 16)] = jnp.zeros((16,), jnp.int32)
    lane = jax.lax.iota(jnp.int32, 16)

    def scan(k, _):
        d = dest_v[pl.ds(k * 16, 16)]
        m = (d >= base) & (d < base + _SLOTS)
        idx = jnp.clip(d - base, 0, _SLOTS - 1)
        plsc.store_scatter(srcbuf, [idx], lane + k * 16, mask=m)
        return 0

    jax.lax.fori_loop(0, _NP // 16, scan, 0)
    pltpu.async_copy(tabp_hbm.at[srcbuf], rows_v, sem).wait()
    pltpu.sync_copy(rows_v, tab1k_hbm.at[pl.ds(base, _SLOTS)])
    for f in range(8):
        a = plsc.load_gather(rows_v, [jax.lax.iota(jnp.int32, 16),
                                      jnp.full((16,), f, jnp.int32)])
        b = plsc.load_gather(rows_v, [jax.lax.iota(jnp.int32, 16) + 16,
                                      jnp.full((16,), f, jnp.int32)])
        fld_v[pl.ds(0, 16)] = a
        fld_v[pl.ds(16, 16)] = b
        pltpu.sync_copy(fld_v, rows8_hbm.at[f, pl.ds(base, _SLOTS)])


def _compact_stage(tabp, dest):
    mesh = plsc.VectorSubcoreMesh(core_axis_name="c", subcore_axis_name="s")
    run = pl.kernel(
        _compact_body,
        mesh=mesh,
        out_type=[jax.ShapeDtypeStruct((_TOPP, 16), jnp.float32),
                  jax.ShapeDtypeStruct((8, _TOPP), jnp.float32)],
        scratch_types=[pltpu.VMEM((_NP,), jnp.int32),
                       pltpu.VMEM((_SLOTS,), jnp.int32),
                       pltpu.VMEM((_SLOTS, 16), jnp.float32),
                       pltpu.VMEM((_SLOTS,), jnp.float32),
                       pltpu.SemaphoreType.DMA],
        compiler_params=pltpu.CompilerParams(needs_layout_passes=False, use_tc_tiling_on_sc=False),
    )
    return run(dest, tabp)


def _final_body(tab_ref, rows_ref, out_ref, stab_ref, m_ref):
    f32 = jnp.float32
    i0 = jax.lax.broadcasted_iota(jnp.int32, (_TOPP, _TOPP), 0)
    i1 = jax.lax.broadcasted_iota(jnp.int32, (_TOPP, _TOPP), 1)

    s_col = tab_ref[:, 4:5]
    s_row = rows_ref[4:5, :]
    realj = i0 < _PRE_TOP_K
    reali = i1 < _PRE_TOP_K
    cmp = (s_col > s_row) | ((s_col == s_row) & (i0 < i1))
    g = ((realj & reali & cmp) | (realj & ~reali)
         | (~realj & ~reali & (i0 < i1))).astype(f32)
    ones_r = jnp.ones((1, _TOPP), f32)
    ones_c = jnp.ones((_TOPP, 1), f32)
    rank_row = jnp.dot(ones_r, g, preferred_element_type=f32)
    beats = jnp.dot(g, ones_c, preferred_element_type=f32)
    rank_col = (_TOPP - 1.0) - beats

    p = (i0.astype(f32) == rank_row).astype(f32)
    pt = (rank_col == i1.astype(f32)).astype(f32)
    stab = jnp.dot(p, tab_ref[...], preferred_element_type=f32,
                   precision=jax.lax.Precision.HIGHEST)
    stab_ref[...] = stab
    srows = jnp.dot(rows_ref[...], pt, preferred_element_type=f32,
                    precision=jax.lax.Precision.HIGHEST)

    x1r, y1r, x2r, y2r = (stab_ref[:, 0:1], stab_ref[:, 1:2],
                          stab_ref[:, 2:3], stab_ref[:, 3:4])
    sr = stab_ref[:, 4:5]
    x1c, y1c, x2c, y2c = (srows[0:1, :], srows[1:2, :],
                          srows[2:3, :], srows[3:4, :])
    ix1 = jnp.maximum(x1r, x1c)
    iy1 = jnp.maximum(y1r, y1c)
    ix2 = jnp.minimum(x2r, x2c)
    iy2 = jnp.minimum(y2r, y2c)
    inter = jnp.clip(ix2 - ix1, 0.0) * jnp.clip(iy2 - iy1, 0.0)
    ar = (x2r - x1r) * (y2r - y1r)
    ac = (x2c - x1c) * (y2c - y1c)
    iou = inter / (ar + ac - inter + 1e-7)
    m_ref[...] = ((iou > _IOU_THR) & (i1 > i0) & (i0 < _PRE_TOP_K)
                  & (sr > _SCORE_THR)).astype(f32)

    lane128 = jax.lax.broadcasted_iota(jnp.int32, (1, 128), 1)
    supp = jnp.zeros((1, _TOPP), f32)
    for blk in range(_TOPP // 128):
        cs = blk * 128

        def inner(i, sblk, cs=cs):
            mrow = m_ref[pl.ds(cs + i, 1), :][:, cs:cs + 128]
            onehot = (lane128 == i).astype(f32)
            si = jnp.sum(sblk * onehot)
            return jnp.maximum(sblk, mrow * (1.0 - si))

        sblk = jax.lax.fori_loop(0, 128, inner, supp[:, cs:cs + 128])
        keepv = (sblk == 0.0).astype(f32)
        contrib = jnp.dot(keepv, m_ref[pl.ds(cs, 128), :],
                          preferred_element_type=f32)
        parts = ([supp[:, :cs]] if cs else []) + [sblk] + (
            [supp[:, cs + 128:]] if cs + 128 < _TOPP else [])
        merged = jnp.concatenate(parts, axis=1) if len(parts) > 1 else sblk
        supp = (merged + contrib > 0.0).astype(f32)

    lane = jax.lax.broadcasted_iota(jnp.int32, (1, _TOPP), 1)
    scor_row = srows[4:5, :]
    real = lane < _PRE_TOP_K
    kept = (supp == 0.0) & (scor_row > _SCORE_THR) & real
    keptf = kept.astype(f32)
    nkf = jnp.where(real, 1.0 - keptf, 0.0)
    ut = (i0 < i1).astype(f32)
    pref_kept = jnp.dot(keptf, ut, preferred_element_type=f32)
    pref_nk = jnp.dot(nkf, ut, preferred_element_type=f32)
    ktot = jnp.sum(keptf)
    slot = jnp.where(kept, pref_kept, ktot + pref_nk)

    k0 = jax.lax.broadcasted_iota(jnp.int32, (128, _TOPP), 0).astype(f32)
    p2 = ((k0 == slot) & real).astype(f32)
    out = jnp.dot(p2, stab_ref[...], preferred_element_type=f32,
                  precision=jax.lax.Precision.HIGHEST)
    krow = (jax.lax.broadcasted_iota(jnp.int32, (128, 1), 0)
            .astype(f32) < ktot)
    out_ref[...] = out
    out_ref[:, 4:5] = jnp.where(krow, out[:, 4:5], -1.0)


def _final_stage(tab1k, rows8):
    return pl.pallas_call(
        _final_body,
        in_specs=[pl.BlockSpec((_TOPP, 16), lambda: (0, 0)),
                  pl.BlockSpec((8, _TOPP), lambda: (0, 0))],
        out_specs=pl.BlockSpec((128, 16), lambda: (0, 0)),
        out_shape=jax.ShapeDtypeStruct((128, 16), jnp.float32),
        scratch_shapes=[pltpu.VMEM((_TOPP, 16), jnp.float32),
                        pltpu.VMEM((_TOPP, _TOPP), jnp.float32)],
    )(tab1k, rows8)


def kernel(cls_scores, bbox_preds, priors, strides):
    cls2d = cls_scores.reshape(_N, _C)
    stcol = strides.reshape(_N, 1)

    tab, scol = _dense_stage(cls2d, bbox_preds[0], priors, stcol)
    s2d = jnp.concatenate(
        [scol[:, 0], jnp.zeros((_NP - _N,), jnp.float32)]).reshape(_ROWS, 128)

    dest = _select_stage(s2d).reshape(_NP)
    tab1k, rows8 = _compact_stage(tab, dest)
    out = _final_stage(tab1k, rows8)
    return out[:_KEEP_TOP_K, :6][None]

# --- scband reference (transcript-rebuilt; emitter-appended) ---
"""Pipeline reference for scband-deploy-model-72267119723328 (READ-ONLY COPY).

The authoritative reference and input builder live on the scoring server;
editing this copy changes nothing except your own understanding.
"""

import jax, jax.numpy as jnp
import numpy as np

PRE_TOP_K = 1000
KEEP_TOP_K = 100
IOU_THRESHOLD = 0.65
SCORE_THRESHOLD = 0.25
B, N, NUM_CLASSES = 1, 20000, 80


def setup_inputs(seed: int = 0) -> dict:
    key = jax.random.key(seed)
    k1, k2, k3, k4 = jax.random.split(key, 4)
    cls_scores = jax.random.normal(k1, (B, N, NUM_CLASSES), dtype=jnp.float32)
    bbox_preds = jax.random.normal(k2, (B, N, 4), dtype=jnp.float32)
    cxcy = jax.random.uniform(k3, (N, 2), dtype=jnp.float32, minval=0.0, maxval=640.0)
    wh = jax.random.uniform(k4, (N, 2), dtype=jnp.float32, minval=8.0, maxval=128.0)
    priors = jnp.concatenate([cxcy - wh * 0.5, cxcy + wh * 0.5], axis=-1)
    strides = jnp.full((N,), 8.0, dtype=jnp.float32)
    return {"cls_scores": cls_scores, "bbox_preds": bbox_preds, "priors": priors, "strides": strides}


def _yolov5_bbox_decoder(priors, bbox_preds, stride):
    bp = jax.nn.sigmoid(bbox_preds)
    xc = (priors[..., 0] + priors[..., 2]) * 0.5
    yc = (priors[..., 1] + priors[..., 3]) * 0.5
    w = priors[..., 2] - priors[..., 0]
    h = priors[..., 3] - priors[..., 1]
    xcp = (bp[..., 0] - 0.5) * 2.0 * stride + xc
    ycp = (bp[..., 1] - 0.5) * 2.0 * stride + yc
    wp = (bp[..., 2] * 2.0) ** 2 * w
    hp = (bp[..., 3] * 2.0) ** 2 * h
    return jnp.stack([xcp - wp * 0.5, ycp - hp * 0.5, xcp + wp * 0.5, ycp + hp * 0.5], axis=-1)


def _pairwise_iou(box, boxes):
    x1 = jnp.maximum(box[0], boxes[:, 0])
    y1 = jnp.maximum(box[1], boxes[:, 1])
    x2 = jnp.minimum(box[2], boxes[:, 2])
    y2 = jnp.minimum(box[3], boxes[:, 3])
    inter = jnp.clip(x2 - x1, 0.0) * jnp.clip(y2 - y1, 0.0)
    a1 = (box[2] - box[0]) * (box[3] - box[1])
    a2 = (boxes[:, 2] - boxes[:, 0]) * (boxes[:, 3] - boxes[:, 1])
    return inter / (a1 + a2 - inter + 1e-7)


def _nms_single(boxes, scores, labels):
    top_scores, idx = jax.lax.top_k(scores, PRE_TOP_K)
    top_boxes = boxes[idx]
    top_labels = labels[idx]
    arange = jnp.arange(PRE_TOP_K)

    def body(i, supp):
        valid = jnp.logical_not(supp[i]) & (top_scores[i] > SCORE_THRESHOLD)
        ious = _pairwise_iou(top_boxes[i], top_boxes)
        return supp | (valid & (ious > IOU_THRESHOLD) & (arange > i))

    supp = jax.lax.fori_loop(0, PRE_TOP_K, body, jnp.zeros((PRE_TOP_K,), dtype=bool))
    keep = jnp.logical_not(supp) & (top_scores > SCORE_THRESHOLD)
    masked = jnp.where(keep, top_scores, -1.0)
    fin_scores, fin_idx = jax.lax.top_k(masked, KEEP_TOP_K)
    fin_boxes = top_boxes[fin_idx]
    fin_labels = jax.lax.stop_gradient(top_labels[fin_idx]).astype(jnp.float32)
    return jnp.concatenate([fin_boxes, fin_scores[:, None], fin_labels[:, None]], axis=-1)


def reference(cls_scores, bbox_preds, priors, strides):
    strides = strides.reshape(-1)
    scores = jax.nn.sigmoid(cls_scores)
    bboxes = _yolov5_bbox_decoder(priors[None], bbox_preds, strides[None])
    max_scores = jnp.max(scores, axis=-1)
    labels = jnp.argmax(scores, axis=-1)
    return jax.vmap(_nms_single)(bboxes, max_scores, labels)

if __name__ == "__main__":
    import jax
    _d = setup_inputs()
    print(jax.jit(kernel)(*tuple(_d.values())))

</pallas_src>

<mosaic_0001>
#map = affine_map<(d0, d1) -> (0)>
#map1 = affine_map<(d0, d1) -> (0, 0)>
module attributes {stable_mosaic.version = 14 : i64} {
  func.func @_compact_body(%arg0: i32, %arg1: i32, %arg2: memref<20480xi32, #tpu.memory_space<hbm>>, %arg3: memref<20000x16xf32, #tpu.memory_space<hbm>>, %arg4: memref<1024x16xf32, #tpu.memory_space<hbm>>, %arg5: memref<8x1024xf32, #tpu.memory_space<hbm>>, %arg6: memref<20480xi32, #tpu.memory_space<vmem>>, %arg7: memref<32xi32, #tpu.memory_space<vmem>>, %arg8: memref<32x16xf32, #tpu.memory_space<vmem>>, %arg9: memref<32xf32, #tpu.memory_space<vmem>>, %arg10: memref<!tpu.dma_semaphore, #tpu.memory_space<semaphore_mem>>) attributes {dimension_semantics = [#tpu.dimension_semantics<core_parallel>, #tpu.dimension_semantics<subcore_parallel>], iteration_bounds = array<i64: 2, 16>, scalar_prefetch = 0 : i64, scratch_operands = 5 : i64, tpu.core_type = #tpu.core_type<sc_vector_subcore>, window_params = [{transform_indices = #map}, {transform_indices = #map1}, {transform_indices = #map1}, {transform_indices = #map1}]} {
    %mul3A = arith.constant 2 : i32
    %mul3A_0 = arith.muli %arg1, %mul3A : i32
    %add3A = arith.addi %mul3A_0, %arg0 : i32
    %mul3A_1 = arith.constant 32 : i32
    %mul3A_2 = arith.muli %add3A, %mul3A_1 : i32
    "tpu.region"() ({
      %run_scoped3A_145 = tpu.sem_alloc : memref<!tpu.dma_semaphore, #tpu.memory_space<semaphore_mem>>
      tpu.enqueue_dma source(%arg2 : memref<20480xi32, #tpu.memory_space<hbm>>) target(%arg6 : memref<20480xi32, #tpu.memory_space<vmem>>) target_semaphore(%run_scoped3A_145 : memref<!tpu.dma_semaphore, #tpu.memory_space<semaphore_mem>>)
      tpu.wait_dma2 semaphore(%run_scoped3A_145 : memref<!tpu.dma_semaphore, #tpu.memory_space<semaphore_mem>>) src(%arg2 : memref<20480xi32, #tpu.memory_space<hbm>>) dst(%arg6 : memref<20480xi32, #tpu.memory_space<vmem>>)
      tpu.yield
    }) : () -> ()
    %broadcast_in_dim3A = arith.constant 0 : i32
    %broadcast_in_dim3A_3 = vector.broadcast %broadcast_in_dim3A : i32 to vector<16xi32>
    %swap3A = arith.constant 0 : index
    %swap3A_4 = tpu.vector_load %arg7[%swap3A] {strides = array<i32>} : memref<32xi32, #tpu.memory_space<vmem>>, vector<16xi32>,
    tpu.vector_store %arg7[%swap3A], %broadcast_in_dim3A_3 {strides = array<i32>} : memref<32xi32, #tpu.memory_space<vmem>>, vector<16xi32>,
    %broadcast_in_dim3A_5 = arith.constant 0 : i32
    %broadcast_in_dim3A_6 = vector.broadcast %broadcast_in_dim3A_5 : i32 to vector<16xi32>
    %swap3A_7 = arith.constant 16 : index
    %swap3A_8 = tpu.vector_load %arg7[%swap3A_7] {strides = array<i32>} : memref<32xi32, #tpu.memory_space<vmem>>, vector<16xi32>,
    tpu.vector_store %arg7[%swap3A_7], %broadcast_in_dim3A_6 {strides = array<i32>} : memref<32xi32, #tpu.memory_space<vmem>>, vector<16xi32>,
    %iota3A = tpu.iota {dimensions = array<i32: 0>} : vector<16xi32>
    %scan3A = arith.constant 0 : i32
    %scan3A_9 = arith.constant 0 : i32
    %scan3A_10 = arith.constant 1280 : i32
    %scan3A_11 = arith.addi %scan3A_9, %scan3A_10 : i32
    %scan3A_12 = arith.constant 1 : i32
    %scan3A_13 = scf.for %scan3A_145 = %scan3A_9 to %scan3A_11 step %scan3A_12 iter_args(%scan3A_146 = %scan3A) -> (i32)  : i32 {
      %mul3A_147 = arith.constant 16 : i32
      %mul3A_148 = arith.muli %scan3A_145, %mul3A_147 : i32
      %get3A = arith.index_cast %mul3A_148 : i32 to index
      %get3A_149 = tpu.vector_load %arg6[%get3A] {strides = array<i32>} : memref<20480xi32, #tpu.memory_space<vmem>>, vector<16xi32>,
      %ge3A = vector.broadcast %mul3A_2 : i32 to vector<16xi32>
      %ge3A_150 = arith.cmpi sge, %get3A_149, %ge3A : vector<16xi32>
      %add3A_151 = arith.constant 32 : i32
      %add3A_152 = arith.addi %mul3A_2, %add3A_151 : i32
      %lt3A = vector.broadcast %add3A_152 : i32 to vector<16xi32>
      %lt3A_153 = arith.cmpi slt, %get3A_149, %lt3A : vector<16xi32>
      %and3A = arith.andi %ge3A_150, %lt3A_153 : vector<16xi1>
      %sub3A = vector.broadcast %mul3A_2 : i32 to vector<16xi32>
      %sub3A_154 = arith.subi %get3A_149, %sub3A : vector<16xi32>
      %jit3A = arith.constant 0 : i32
      %jit3A_155 = arith.constant 31 : i32
      %max3A = vector.broadcast %jit3A : i32 to vector<16xi32>
      %max3A_156 = arith.maxsi %max3A, %sub3A_154 : vector<16xi32>
      %min3A = vector.broadcast %jit3A_155 : i32 to vector<16xi32>
      %min3A_157 = arith.minsi %min3A, %max3A_156 : vector<16xi32>
      %mul3A_158 = arith.constant 16 : i32
      %mul3A_159 = arith.muli %scan3A_145, %mul3A_158 : i32
      %add3A_160 = vector.broadcast %mul3A_159 : i32 to vector<16xi32>
      %add3A_161 = arith.addi %iota3A, %add3A_160 : vector<16xi32>
      tpu.vector_store_idx %arg7[%min3A_157], %add3A_161 masked %and3A : memref<32xi32, #tpu.memory_space<vmem>>[vector<16xi32>], vector<16xi32>, vector<16xi1>
      %scan3A_162 = arith.constant 0 : i32
      scf.yield %scan3A_162 : i32
    }
    %scan3A_14 = arith.constant 1280 : i32
    %dma_start3A = arith.constant 0 : i32
    %dma_start3A_15 = arith.constant 0 : i32
    %dma_start3A_16 = tpu.memref_slice %arg3[%dma_start3A, %dma_start3A_15] : memref<20000x16xf32, #tpu.memory_space<hbm>> -> memref<20000x16xf32, #tpu.memory_space<hbm>>
    tpu.enqueue_indirect_dma source(%dma_start3A_16 : memref<20000x16xf32, #tpu.memory_space<hbm>>) target(%arg8 : memref<32x16xf32, #tpu.memory_space<vmem>>) offsets(%arg7 : memref<32xi32, #tpu.memory_space<vmem>>) semaphore(%arg10 : memref<!tpu.dma_semaphore, #tpu.memory_space<semaphore_mem>>)
    %dma_wait3A = arith.constant 0 : i32
    %dma_wait3A_17 = arith.constant 0 : i32
    %dma_wait3A_18 = tpu.memref_slice %arg3[%dma_wait3A, %dma_wait3A_17] : memref<20000x16xf32, #tpu.memory_space<hbm>> -> memref<20000x16xf32, #tpu.memory_space<hbm>>
    tpu.wait_indirect_dma semaphore(%arg10 : memref<!tpu.dma_semaphore, #tpu.memory_space<semaphore_mem>>) src(%dma_wait3A_18 : memref<20000x16xf32, #tpu.memory_space<hbm>>) dst(%arg8 : memref<32x16xf32, #tpu.memory_space<vmem>>)
    "tpu.region"() ({
      %run_scoped3A_145 = tpu.sem_alloc : memref<!tpu.dma_semaphore, #tpu.memory_space<semaphore_mem>>
      %dma_start3A_146 = arith.constant 0 : i32
      %dma_start3A_147 = tpu.memref_slice %arg4[%mul3A_2, %dma_start3A_146] : memref<1024x16xf32, #tpu.memory_space<hbm>> -> memref<32x16xf32, #tpu.memory_space<hbm>>
      %dma_start3A_148 = arith.constant 0 : i32
      %dma_start3A_149 = tpu.memref_slice %arg4[%mul3A_2, %dma_start3A_148] : memref<1024x16xf32, #tpu.memory_space<hbm>> -> memref<32x16xf32, #tpu.memory_space<hbm>>
      tpu.enqueue_dma source(%arg8 : memref<32x16xf32, #tpu.memory_space<vmem>>) target(%dma_start3A_149 : memref<32x16xf32, #tpu.memory_space<hbm>>) target_semaphore(%run_scoped3A_145 : memref<!tpu.dma_semaphore, #tpu.memory_space<semaphore_mem>>)
      %dma_wait3A_150 = arith.constant 0 : i32
      %dma_wait3A_151 = tpu.memref_slice %arg4[%mul3A_2, %dma_wait3A_150] : memref<1024x16xf32, #tpu.memory_space<hbm>> -> memref<32x16xf32, #tpu.memory_space<hbm>>
      %dma_wait3A_152 = arith.constant 0 : i32
      %dma_wait3A_153 = tpu.memref_slice %arg4[%mul3A_2, %dma_wait3A_152] : memref<1024x16xf32, #tpu.memory_space<hbm>> -> memref<32x16xf32, #tpu.memory_space<hbm>>
      tpu.wait_dma2 semaphore(%run_scoped3A_145 : memref<!tpu.dma_semaphore, #tpu.memory_space<semaphore_mem>>) src(%arg8 : memref<32x16xf32, #tpu.memory_space<vmem>>) dst(%dma_wait3A_153 : memref<32x16xf32, #tpu.memory_space<hbm>>)
      tpu.yield
    }) : () -> ()
    %iota3A_19 = tpu.iota {dimensions = array<i32: 0>} : vector<16xi32>
    %broadcast_in_dim3A_20 = arith.constant 0 : i32
    %broadcast_in_dim3A_21 = vector.broadcast %broadcast_in_dim3A_20 : i32 to vector<16xi32>
    %gather3A = tpu.vector_load_idx %arg8[%iota3A_19, %broadcast_in_dim3A_21] : memref<32x16xf32, #tpu.memory_space<vmem>>[vector<16xi32>, vector<16xi32>], vector<16xf32>,
    %iota3A_22 = tpu.iota {dimensions = array<i32: 0>} : vector<16xi32>
    %add3A_23 = arith.constant 16 : i32
    %add3A_24 = vector.broadcast %add3A_23 : i32 to vector<16xi32>
    %add3A_25 = arith.addi %iota3A_22, %add3A_24 : vector<16xi32>
    %broadcast_in_dim3A_26 = arith.constant 0 : i32
    %broadcast_in_dim3A_27 = vector.broadcast %broadcast_in_dim3A_26 : i32 to vector<16xi32>
    %gather3A_28 = tpu.vector_load_idx %arg8[%add3A_25, %broadcast_in_dim3A_27] : memref<32x16xf32, #tpu.memory_space<vmem>>[vector<16xi32>, vector<16xi32>], vector<16xf32>,
    %swap3A_29 = arith.constant 0 : index
    %swap3A_30 = tpu.vector_load %arg9[%swap3A_29] {strides = array<i32>} : memref<32xf32, #tpu.memory_space<vmem>>, vector<16xf32>,
    tpu.vector_store %arg9[%swap3A_29], %gather3A {strides = array<i32>} : memref<32xf32, #tpu.memory_space<vmem>>, vector<16xf32>,
    %swap3A_31 = arith.constant 16 : index
    %swap3A_32 = tpu.vector_load %arg9[%swap3A_31] {strides = array<i32>} : memref<32xf32, #tpu.memory_space<vmem>>, vector<16xf32>,
    tpu.vector_store %arg9[%swap3A_31], %gather3A_28 {strides = array<i32>} : memref<32xf32, #tpu.memory_space<vmem>>, vector<16xf32>,
    %run_scoped3A = arith.constant 0 : i32
    "tpu.region"() ({
      %run_scoped3A_145 = tpu.sem_alloc : memref<!tpu.dma_semaphore, #tpu.memory_space<semaphore_mem>>
      %dma_start3A_146 = tpu.memref_slice %arg5[%run_scoped3A, %mul3A_2] : memref<8x1024xf32, #tpu.memory_space<hbm>> -> memref<1x32xf32, #tpu.memory_space<hbm>>
      %dma_start3A_147 = tpu.memref_squeeze %dma_start3A_146 : memref<1x32xf32, #tpu.memory_space<hbm>> -> memref<32xf32, #tpu.memory_space<hbm>>
      %dma_start3A_148 = tpu.memref_slice %arg5[%run_scoped3A, %mul3A_2] : memref<8x1024xf32, #tpu.memory_space<hbm>> -> memref<1x32xf32, #tpu.memory_space<hbm>>
      %dma_start3A_149 = tpu.memref_squeeze %dma_start3A_148 : memref<1x32xf32, #tpu.memory_space<hbm>> -> memref<32xf32, #tpu.memory_space<hbm>>
      tpu.enqueue_dma source(%arg9 : memref<32xf32, #tpu.memory_space<vmem>>) target(%dma_start3A_149 : memref<32xf32, #tpu.memory_space<hbm>>) target_semaphore(%run_scoped3A_145 : memref<!tpu.dma_semaphore, #tpu.memory_space<semaphore_mem>>)
      %dma_wait3A_150 = tpu.memref_slice %arg5[%run_scoped3A, %mul3A_2] : memref<8x1024xf32, #tpu.memory_space<hbm>> -> memref<1x32xf32, #tpu.memory_space<hbm>>
      %dma_wait3A_151 = tpu.memref_squeeze %dma_wait3A_150 : memref<1x32xf32, #tpu.memory_space<hbm>> -> memref<32xf32, #tpu.memory_space<hbm>>
      %dma_wait3A_152 = tpu.memref_slice %arg5[%run_scoped3A, %mul3A_2] : memref<8x1024xf32, #tpu.memory_space<hbm>> -> memref<1x32xf32, #tpu.memory_space<hbm>>
      %dma_wait3A_153 = tpu.memref_squeeze %dma_wait3A_152 : memref<1x32xf32, #tpu.memory_space<hbm>> -> memref<32xf32, #tpu.memory_space<hbm>>
      tpu.wait_dma2 semaphore(%run_scoped3A_145 : memref<!tpu.dma_semaphore, #tpu.memory_space<semaphore_mem>>) src(%arg9 : memref<32xf32, #tpu.memory_space<vmem>>) dst(%dma_wait3A_153 : memref<32xf32, #tpu.memory_space<hbm>>)
      tpu.yield
    }) : () -> ()
    %iota3A_33 = tpu.iota {dimensions = array<i32: 0>} : vector<16xi32>
    %broadcast_in_dim3A_34 = arith.constant 1 : i32
    %broadcast_in_dim3A_35 = vector.broadcast %broadcast_in_dim3A_34 : i32 to vector<16xi32>
    %gather3A_36 = tpu.vector_load_idx %arg8[%iota3A_33, %broadcast_in_dim3A_35] : memref<32x16xf32, #tpu.memory_space<vmem>>[vector<16xi32>, vector<16xi32>], vector<16xf32>,
    %iota3A_37 = tpu.iota {dimensions = array<i32: 0>} : vector<16xi32>
    %add3A_38 = arith.constant 16 : i32
    %add3A_39 = vector.broadcast %add3A_38 : i32 to vector<16xi32>
    %add3A_40 = arith.addi %iota3A_37, %add3A_39 : vector<16xi32>
    %broadcast_in_dim3A_41 = arith.constant 1 : i32
    %broadcast_in_dim3A_42 = vector.broadcast %broadcast_in_dim3A_41 : i32 to vector<16xi32>
    %gather3A_43 = tpu.vector_load_idx %arg8[%add3A_40, %broadcast_in_dim3A_42] : memref<32x16xf32, #tpu.memory_space<vmem>>[vector<16xi32>, vector<16xi32>], vector<16xf32>,
    %swap3A_44 = arith.constant 0 : index
    %swap3A_45 = tpu.vector_load %arg9[%swap3A_44] {strides = array<i32>} : memref<32xf32, #tpu.memory_space<vmem>>, vector<16xf32>,
    tpu.vector_store %arg9[%swap3A_44], %gather3A_36 {strides = array<i32>} : memref<32xf32, #tpu.memory_space<vmem>>, vector<16xf32>,
    %swap3A_46 = arith.constant 16 : index
    %swap3A_47 = tpu.vector_load %arg9[%swap3A_46] {strides = array<i32>} : memref<32xf32, #tpu.memory_space<vmem>>, vector<16xf32>,
    tpu.vector_store %arg9[%swap3A_46], %gather3A_43 {strides = array<i32>} : memref<32xf32, #tpu.memory_space<vmem>>, vector<16xf32>,
    %run_scoped3A_48 = arith.constant 1 : i32
    "tpu.region"() ({
      %run_scoped3A_145 = tpu.sem_alloc : memref<!tpu.dma_semaphore, #tpu.memory_space<semaphore_mem>>
      %dma_start3A_146 = tpu.memref_slice %arg5[%run_scoped3A_48, %mul3A_2] : memref<8x1024xf32, #tpu.memory_space<hbm>> -> memref<1x32xf32, #tpu.memory_space<hbm>>
      %dma_start3A_147 = tpu.memref_squeeze %dma_start3A_146 : memref<1x32xf32, #tpu.memory_space<hbm>> -> memref<32xf32, #tpu.memory_space<hbm>>
      %dma_start3A_148 = tpu.memref_slice %arg5[%run_scoped3A_48, %mul3A_2] : memref<8x1024xf32, #tpu.memory_space<hbm>> -> memref<1x32xf32, #tpu.memory_space<hbm>>
      %dma_start3A_149 = tpu.memref_squeeze %dma_start3A_148 : memref<1x32xf32, #tpu.memory_space<hbm>> -> memref<32xf32, #tpu.memory_space<hbm>>
      tpu.enqueue_dma source(%arg9 : memref<32xf32, #tpu.memory_space<vmem>>) target(%dma_start3A_149 : memref<32xf32, #tpu.memory_space<hbm>>) target_semaphore(%run_scoped3A_145 : memref<!tpu.dma_semaphore, #tpu.memory_space<semaphore_mem>>)
      %dma_wait3A_150 = tpu.memref_slice %arg5[%run_scoped3A_48, %mul3A_2] : memref<8x1024xf32, #tpu.memory_space<hbm>> -> memref<1x32xf32, #tpu.memory_space<hbm>>
      %dma_wait3A_151 = tpu.memref_squeeze %dma_wait3A_150 : memref<1x32xf32, #tpu.memory_space<hbm>> -> memref<32xf32, #tpu.memory_space<hbm>>
      %dma_wait3A_152 = tpu.memref_slice %arg5[%run_scoped3A_48, %mul3A_2] : memref<8x1024xf32, #tpu.memory_space<hbm>> -> memref<1x32xf32, #tpu.memory_space<hbm>>
      %dma_wait3A_153 = tpu.memref_squeeze %dma_wait3A_152 : memref<1x32xf32, #tpu.memory_space<hbm>> -> memref<32xf32, #tpu.memory_space<hbm>>
      tpu.wait_dma2 semaphore(%run_scoped3A_145 : memref<!tpu.dma_semaphore, #tpu.memory_space<semaphore_mem>>) src(%arg9 : memref<32xf32, #tpu.memory_space<vmem>>) dst(%dma_wait3A_153 : memref<32xf32, #tpu.memory_space<hbm>>)
      tpu.yield
    }) : () -> ()
    %iota3A_49 = tpu.iota {dimensions = array<i32: 0>} : vector<16xi32>
    %broadcast_in_dim3A_50 = arith.constant 2 : i32
    %broadcast_in_dim3A_51 = vector.broadcast %broadcast_in_dim3A_50 : i32 to vector<16xi32>
    %gather3A_52 = tpu.vector_load_idx %arg8[%iota3A_49, %broadcast_in_dim3A_51] : memref<32x16xf32, #tpu.memory_space<vmem>>[vector<16xi32>, vector<16xi32>], vector<16xf32>,
    %iota3A_53 = tpu.iota {dimensions = array<i32: 0>} : vector<16xi32>
    %add3A_54 = arith.constant 16 : i32
    %add3A_55 = vector.broadcast %add3A_54 : i32 to vector<16xi32>
    %add3A_56 = arith.addi %iota3A_53, %add3A_55 : vector<16xi32>
    %broadcast_in_dim3A_57 = arith.constant 2 : i32
    %broadcast_in_dim3A_58 = vector.broadcast %broadcast_in_dim3A_57 : i32 to vector<16xi32>
    %gather3A_59 = tpu.vector_load_idx %arg8[%add3A_56, %broadcast_in_dim3A_58] : memref<32x16xf32, #tpu.memory_space<vmem>>[vector<16xi32>, vector<16xi32>], vector<16xf32>,
    %swap3A_60 = arith.constant 0 : index
    %swap3A_61 = tpu.vector_load %arg9[%swap3A_60] {strides = array<i32>} : memref<32xf32, #tpu.memory_space<vmem>>, vector<16xf32>,
    tpu.vector_store %arg9[%swap3A_60], %gather3A_52 {strides = array<i32>} : memref<32xf32, #tpu.memory_space<vmem>>, vector<16xf32>,
    %swap3A_62 = arith.constant 16 : index
    %swap3A_63 = tpu.vector_load %arg9[%swap3A_62] {strides = array<i32>} : memref<32xf32, #tpu.memory_space<vmem>>, vector<16xf32>,
    tpu.vector_store %arg9[%swap3A_62], %gather3A_59 {strides = array<i32>} : memref<32xf32, #tpu.memory_space<vmem>>, vector<16xf32>,
    %run_scoped3A_64 = arith.constant 2 : i32
    "tpu.region"() ({
      %run_scoped3A_145 = tpu.sem_alloc : memref<!tpu.dma_semaphore, #tpu.memory_space<semaphore_mem>>
      %dma_start3A_146 = tpu.memref_slice %arg5[%run_scoped3A_64, %mul3A_2] : memref<8x1024xf32, #tpu.memory_space<hbm>> -> memref<1x32xf32, #tpu.memory_space<hbm>>
      %dma_start3A_147 = tpu.memref_squeeze %dma_start3A_146 : memref<1x32xf32, #tpu.memory_space<hbm>> -> memref<32xf32, #tpu.memory_space<hbm>>
      %dma_start3A_148 = tpu.memref_slice %arg5[%run_scoped3A_64, %mul3A_2] : memref<8x1024xf32, #tpu.memory_space<hbm>> -> memref<1x32xf32, #tpu.memory_space<hbm>>
      %dma_start3A_149 = tpu.memref_squeeze %dma_start3A_148 : memref<1x32xf32, #tpu.memory_space<hbm>> -> memref<32xf32, #tpu.memory_space<hbm>>
      tpu.enqueue_dma source(%arg9 : memref<32xf32, #tpu.memory_space<vmem>>) target(%dma_start3A_149 : memref<32xf32, #tpu.memory_space<hbm>>) target_semaphore(%run_scoped3A_145 : memref<!tpu.dma_semaphore, #tpu.memory_space<semaphore_mem>>)
      %dma_wait3A_150 = tpu.memref_slice %arg5[%run_scoped3A_64, %mul3A_2] : memref<8x1024xf32, #tpu.memory_space<hbm>> -> memref<1x32xf32, #tpu.memory_space<hbm>>
      %dma_wait3A_151 = tpu.memref_squeeze %dma_wait3A_150 : memref<1x32xf32, #tpu.memory_space<hbm>> -> memref<32xf32, #tpu.memory_space<hbm>>
      %dma_wait3A_152 = tpu.memref_slice %arg5[%run_scoped3A_64, %mul3A_2] : memref<8x1024xf32, #tpu.memory_space<hbm>> -> memref<1x32xf32, #tpu.memory_space<hbm>>
      %dma_wait3A_153 = tpu.memref_squeeze %dma_wait3A_152 : memref<1x32xf32, #tpu.memory_space<hbm>> -> memref<32xf32, #tpu.memory_space<hbm>>
      tpu.wait_dma2 semaphore(%run_scoped3A_145 : memref<!tpu.dma_semaphore, #tpu.memory_space<semaphore_mem>>) src(%arg9 : memref<32xf32, #tpu.memory_space<vmem>>) dst(%dma_wait3A_153 : memref<32xf32, #tpu.memory_space<hbm>>)
      tpu.yield
    }) : () -> ()
    %iota3A_65 = tpu.iota {dimensions = array<i32: 0>} : vector<16xi32>
    %broadcast_in_dim3A_66 = arith.constant 3 : i32
    %broadcast_in_dim3A_67 = vector.broadcast %broadcast_in_dim3A_66 : i32 to vector<16xi32>
    %gather3A_68 = tpu.vector_load_idx %arg8[%iota3A_65, %broadcast_in_dim3A_67] : memref<32x16xf32, #tpu.memory_space<vmem>>[vector<16xi32>, vector<16xi32>], vector<16xf32>,
    %iota3A_69 = tpu.iota {dimensions = array<i32: 0>} : vector<16xi32>
    %add3A_70 = arith.constant 16 : i32
    %add3A_71 = vector.broadcast %add3A_70 : i32 to vector<16xi32>
    %add3A_72 = arith.addi %iota3A_69, %add3A_71 : vector<16xi32>
    %broadcast_in_dim3A_73 = arith.constant 3 : i32
    %broadcast_in_dim3A_74 = vector.broadcast %broadcast_in_dim3A_73 : i32 to vector<16xi32>
    %gather3A_75 = tpu.vector_load_idx %arg8[%add3A_72, %broadcast_in_dim3A_74] : memref<32x16xf32, #tpu.memory_space<vmem>>[vector<16xi32>, vector<16xi32>], vector<16xf32>,
    %swap3A_76 = arith.constant 0 : index
    %swap3A_77 = tpu.vector_load %arg9[%swap3A_76] {strides = array<i32>} : memref<32xf32, #tpu.memory_space<vmem>>, vector<16xf32>,
    tpu.vector_store %arg9[%swap3A_76], %gather3A_68 {strides = array<i32>} : memref<32xf32, #tpu.memory_space<vmem>>, vector<16xf32>,
    %swap3A_78 = arith.constant 16 : index
    %swap3A_79 = tpu.vector_load %arg9[%swap3A_78] {strides = array<i32>} : memref<32xf32, #tpu.memory_space<vmem>>, vector<16xf32>,
    tpu.vector_store %arg9[%swap3A_78], %gather3A_75 {strides = array<i32>} : memref<32xf32, #tpu.memory_space<vmem>>, vector<16xf32>,
    %run_scoped3A_80 = arith.constant 3 : i32
    "tpu.region"() ({
      %run_scoped3A_145 = tpu.sem_alloc : memref<!tpu.dma_semaphore, #tpu.memory_space<semaphore_mem>>
      %dma_start3A_146 = tpu.memref_slice %arg5[%run_scoped3A_80, %mul3A_2] : memref<8x1024xf32, #tpu.memory_space<hbm>> -> memref<1x32xf32, #tpu.memory_space<hbm>>
      %dma_start3A_147 = tpu.memref_squeeze %dma_start3A_146 : memref<1x32xf32, #tpu.memory_space<hbm>> -> memref<32xf32, #tpu.memory_space<hbm>>
      %dma_start3A_148 = tpu.memref_slice %arg5[%run_scoped3A_80, %mul3A_2] : memref<8x1024xf32, #tpu.memory_space<hbm>> -> memref<1x32xf32, #tpu.memory_space<hbm>>
      %dma_start3A_149 = tpu.memref_squeeze %dma_start3A_148 : memref<1x32xf32, #tpu.memory_space<hbm>> -> memref<32xf32, #tpu.memory_space<hbm>>
      tpu.enqueue_dma source(%arg9 : memref<32xf32, #tpu.memory_space<vmem>>) target(%dma_start3A_149 : memref<32xf32, #tpu.memory_space<hbm>>) target_semaphore(%run_scoped3A_145 : memref<!tpu.dma_semaphore, #tpu.memory_space<semaphore_mem>>)
      %dma_wait3A_150 = tpu.memref_slice %arg5[%run_scoped3A_80, %mul3A_2] : memref<8x1024xf32, #tpu.memory_space<hbm>> -> memref<1x32xf32, #tpu.memory_space<hbm>>
      %dma_wait3A_151 = tpu.memref_squeeze %dma_wait3A_150 : memref<1x32xf32, #tpu.memory_space<hbm>> -> memref<32xf32, #tpu.memory_space<hbm>>
      %dma_wait3A_152 = tpu.memref_slice %arg5[%run_scoped3A_80, %mul3A_2] : memref<8x1024xf32, #tpu.memory_space<hbm>> -> memref<1x32xf32, #tpu.memory_space<hbm>>
      %dma_wait3A_153 = tpu.memref_squeeze %dma_wait3A_152 : memref<1x32xf32, #tpu.memory_space<hbm>> -> memref<32xf32, #tpu.memory_space<hbm>>
      tpu.wait_dma2 semaphore(%run_scoped3A_145 : memref<!tpu.dma_semaphore, #tpu.memory_space<semaphore_mem>>) src(%arg9 : memref<32xf32, #tpu.memory_space<vmem>>) dst(%dma_wait3A_153 : memref<32xf32, #tpu.memory_space<hbm>>)
      tpu.yield
    }) : () -> ()
    %iota3A_81 = tpu.iota {dimensions = array<i32: 0>} : vector<16xi32>
    %broadcast_in_dim3A_82 = arith.constant 4 : i32
    %broadcast_in_dim3A_83 = vector.broadcast %broadcast_in_dim3A_82 : i32 to vector<16xi32>
    %gather3A_84 = tpu.vector_load_idx %arg8[%iota3A_81, %broadcast_in_dim3A_83] : memref<32x16xf32, #tpu.memory_space<vmem>>[vector<16xi32>, vector<16xi32>], vector<16xf32>,
    %iota3A_85 = tpu.iota {dimensions = array<i32: 0>} : vector<16xi32>
    %add3A_86 = arith.constant 16 : i32
    %add3A_87 = vector.broadcast %add3A_86 : i32 to vector<16xi32>
    %add3A_88 = arith.addi %iota3A_85, %add3A_87 : vector<16xi32>
    %broadcast_in_dim3A_89 = arith.constant 4 : i32
    %broadcast_in_dim3A_90 = vector.broadcast %broadcast_in_dim3A_89 : i32 to vector<16xi32>
    %gather3A_91 = tpu.vector_load_idx %arg8[%add3A_88, %broadcast_in_dim3A_90] : memref<32x16xf32, #tpu.memory_space<vmem>>[vector<16xi32>, vector<16xi32>], vector<16xf32>,
    %swap3A_92 = arith.constant 0 : index
    %swap3A_93 = tpu.vector_load %arg9[%swap3A_92] {strides = array<i32>} : memref<32xf32, #tpu.memory_space<vmem>>, vector<16xf32>,
    tpu.vector_store %arg9[%swap3A_92], %gather3A_84 {strides = array<i32>} : memref<32xf32, #tpu.memory_space<vmem>>, vector<16xf32>,
    %swap3A_94 = arith.constant 16 : index
    %swap3A_95 = tpu.vector_load %arg9[%swap3A_94] {strides = array<i32>} : memref<32xf32, #tpu.memory_space<vmem>>, vector<16xf32>,
    tpu.vector_store %arg9[%swap3A_94], %gather3A_91 {strides = array<i32>} : memref<32xf32, #tpu.memory_space<vmem>>, vector<16xf32>,
    %run_scoped3A_96 = arith.constant 4 : i32
    "tpu.region"() ({
      %run_scoped3A_145 = tpu.sem_alloc : memref<!tpu.dma_semaphore, #tpu.memory_space<semaphore_mem>>
      %dma_start3A_146 = tpu.memref_slice %arg5[%run_scoped3A_96, %mul3A_2] : memref<8x1024xf32, #tpu.memory_space<hbm>> -> memref<1x32xf32, #tpu.memory_space<hbm>>
      %dma_start3A_147 = tpu.memref_squeeze %dma_start3A_146 : memref<1x32xf32, #tpu.memory_space<hbm>> -> memref<32xf32, #tpu.memory_space<hbm>>
      %dma_start3A_148 = tpu.memref_slice %arg5[%run_scoped3A_96, %mul3A_2] : memref<8x1024xf32, #tpu.memory_space<hbm>> -> memref<1x32xf32, #tpu.memory_space<hbm>>
      %dma_start3A_149 = tpu.memref_squeeze %dma_start3A_148 : memref<1x32xf32, #tpu.memory_space<hbm>> -> memref<32xf32, #tpu.memory_space<hbm>>
      tpu.enqueue_dma source(%arg9 : memref<32xf32, #tpu.memory_space<vmem>>) target(%dma_start3A_149 : memref<32xf32, #tpu.memory_space<hbm>>) target_semaphore(%run_scoped3A_145 : memref<!tpu.dma_semaphore, #tpu.memory_space<semaphore_mem>>)
      %dma_wait3A_150 = tpu.memref_slice %arg5[%run_scoped3A_96, %mul3A_2] : memref<8x1024xf32, #tpu.memory_space<hbm>> -> memref<1x32xf32, #tpu.memory_space<hbm>>
      %dma_wait3A_151 = tpu.memref_squeeze %dma_wait3A_150 : memref<1x32xf32, #tpu.memory_space<hbm>> -> memref<32xf32, #tpu.memory_space<hbm>>
      %dma_wait3A_152 = tpu.memref_slice %arg5[%run_scoped3A_96, %mul3A_2] : memref<8x1024xf32, #tpu.memory_space<hbm>> -> memref<1x32xf32, #tpu.memory_space<hbm>>
      %dma_wait3A_153 = tpu.memref_squeeze %dma_wait3A_152 : memref<1x32xf32, #tpu.memory_space<hbm>> -> memref<32xf32, #tpu.memory_space<hbm>>
      tpu.wait_dma2 semaphore(%run_scoped3A_145 : memref<!tpu.dma_semaphore, #tpu.memory_space<semaphore_mem>>) src(%arg9 : memref<32xf32, #tpu.memory_space<vmem>>) dst(%dma_wait3A_153 : memref<32xf32, #tpu.memory_space<hbm>>)
      tpu.yield
    }) : () -> ()
    %iota3A_97 = tpu.iota {dimensions = array<i32: 0>} : vector<16xi32>
    %broadcast_in_dim3A_98 = arith.constant 5 : i32
    %broadcast_in_dim3A_99 = vector.broadcast %broadcast_in_dim3A_98 : i32 to vector<16xi32>
    %gather3A_100 = tpu.vector_load_idx %arg8[%iota3A_97, %broadcast_in_dim3A_99] : memref<32x16xf32, #tpu.memory_space<vmem>>[vector<16xi32>, vector<16xi32>], vector<16xf32>,
    %iota3A_101 = tpu.iota {dimensions = array<i32: 0>} : vector<16xi32>
    %add3A_102 = arith.constant 16 : i32
    %add3A_103 = vector.broadcast %add3A_102 : i32 to vector<16xi32>
    %add3A_104 = arith.addi %iota3A_101, %add3A_103 : vector<16xi32>
    %broadcast_in_dim3A_105 = arith.constant 5 : i32
    %broadcast_in_dim3A_106 = vector.broadcast %broadcast_in_dim3A_105 : i32 to vector<16xi32>
    %gather3A_107 = tpu.vector_load_idx %arg8[%add3A_104, %broadcast_in_dim3A_106] : memref<32x16xf32, #tpu.memory_space<vmem>>[vector<16xi32>, vector<16xi32>], vector<16xf32>,
    %swap3A_108 = arith.constant 0 : index
    %swap3A_109 = tpu.vector_load %arg9[%swap3A_108] {strides = array<i32>} : memref<32xf32, #tpu.memory_space<vmem>>, vector<16xf32>,
    tpu.vector_store %arg9[%swap3A_108], %gather3A_100 {strides = array<i32>} : memref<32xf32, #tpu.memory_space<vmem>>, vector<16xf32>,
    %swap3A_110 = arith.constant 16 : index
    %swap3A_111 = tpu.vector_load %arg9[%swap3A_110] {strides = array<i32>} : memref<32xf32, #tpu.memory_space<vmem>>, vector<16xf32>,
    tpu.vector_store %arg9[%swap3A_110], %gather3A_107 {strides = array<i32>} : memref<32xf32, #tpu.memory_space<vmem>>, vector<16xf32>,
    %run_scoped3A_112 = arith.constant 5 : i32
    "tpu.region"() ({
      %run_scoped3A_145 = tpu.sem_alloc : memref<!tpu.dma_semaphore, #tpu.memory_space<semaphore_mem>>
      %dma_start3A_146 = tpu.memref_slice %arg5[%run_scoped3A_112, %mul3A_2] : memref<8x1024xf32, #tpu.memory_space<hbm>> -> memref<1x32xf32, #tpu.memory_space<hbm>>
      %dma_start3A_147 = tpu.memref_squeeze %dma_start3A_146 : memref<1x32xf32, #tpu.memory_space<hbm>> -> memref<32xf32, #tpu.memory_space<hbm>>
      %dma_start3A_148 = tpu.memref_slice %arg5[%run_scoped3A_112, %mul3A_2] : memref<8x1024xf32, #tpu.memory_space<hbm>> -> memref<1x32xf32, #tpu.memory_space<hbm>>
      %dma_start3A_149 = tpu.memref_squeeze %dma_start3A_148 : memref<1x32xf32, #tpu.memory_space<hbm>> -> memref<32xf32, #tpu.memory_space<hbm>>
      tpu.enqueue_dma source(%arg9 : memref<32xf32, #tpu.memory_space<vmem>>) target(%dma_start3A_149 : memref<32xf32, #tpu.memory_space<hbm>>) target_semaphore(%run_scoped3A_145 : memref<!tpu.dma_semaphore, #tpu.memory_space<semaphore_mem>>)
      %dma_wait3A_150 = tpu.memref_slice %arg5[%run_scoped3A_112, %mul3A_2] : memref<8x1024xf32, #tpu.memory_space<hbm>> -> memref<1x32xf32, #tpu.memory_space<hbm>>
      %dma_wait3A_151 = tpu.memref_squeeze %dma_wait3A_150 : memref<1x32xf32, #tpu.memory_space<hbm>> -> memref<32xf32, #tpu.memory_space<hbm>>
      %dma_wait3A_152 = tpu.memref_slice %arg5[%run_scoped3A_112, %mul3A_2] : memref<8x1024xf32, #tpu.memory_space<hbm>> -> memref<1x32xf32, #tpu.memory_space<hbm>>
      %dma_wait3A_153 = tpu.memref_squeeze %dma_wait3A_152 : memref<1x32xf32, #tpu.memory_space<hbm>> -> memref<32xf32, #tpu.memory_space<hbm>>
      tpu.wait_dma2 semaphore(%run_scoped3A_145 : memref<!tpu.dma_semaphore, #tpu.memory_space<semaphore_mem>>) src(%arg9 : memref<32xf32, #tpu.memory_space<vmem>>) dst(%dma_wait3A_153 : memref<32xf32, #tpu.memory_space<hbm>>)
      tpu.yield
    }) : () -> ()
    %iota3A_113 = tpu.iota {dimensions = array<i32: 0>} : vector<16xi32>
    %broadcast_in_dim3A_114 = arith.constant 6 : i32
    %broadcast_in_dim3A_115 = vector.broadcast %broadcast_in_dim3A_114 : i32 to vector<16xi32>
    %gather3A_116 = tpu.vector_load_idx %arg8[%iota3A_113, %broadcast_in_dim3A_115] : memref<32x16xf32, #tpu.memory_space<vmem>>[vector<16xi32>, vector<16xi32>], vector<16xf32>,
    %iota3A_117 = tpu.iota {dimensions = array<i32: 0>} : vector<16xi32>
    %add3A_118 = arith.constant 16 : i32
    %add3A_119 = vector.broadcast %add3A_118 : i32 to vector<16xi32>
    %add3A_120 = arith.addi %iota3A_117, %add3A_119 : vector<16xi32>
    %broadcast_in_dim3A_121 = arith.constant 6 : i32
    %broadcast_in_dim3A_122 = vector.broadcast %broadcast_in_dim3A_121 : i32 to vector<16xi32>
    %gather3A_123 = tpu.vector_load_idx %arg8[%add3A_120, %broadcast_in_dim3A_122] : memref<32x16xf32, #tpu.memory_space<vmem>>[vector<16xi32>, vector<16xi32>], vector<16xf32>,
    %swap3A_124 = arith.constant 0 : index
    %swap3A_125 = tpu.vector_load %arg9[%swap3A_124] {strides = array<i32>} : memref<32xf32, #tpu.memory_space<vmem>>, vector<16xf32>,
    tpu.vector_store %arg9[%swap3A_124], %gather3A_116 {strides = array<i32>} : memref<32xf32, #tpu.memory_space<vmem>>, vector<16xf32>,
    %swap3A_126 = arith.constant 16 : index
    %swap3A_127 = tpu.vector_load %arg9[%swap3A_126] {strides = array<i32>} : memref<32xf32, #tpu.memory_space<vmem>>, vector<16xf32>,
    tpu.vector_store %arg9[%swap3A_126], %gather3A_123 {strides = array<i32>} : memref<32xf32, #tpu.memory_space<vmem>>, vector<16xf32>,
    %run_scoped3A_128 = arith.constant 6 : i32
    "tpu.region"() ({
      %run_scoped3A_145 = tpu.sem_alloc : memref<!tpu.dma_semaphore, #tpu.memory_space<semaphore_mem>>
      %dma_start3A_146 = tpu.memref_slice %arg5[%run_scoped3A_128, %mul3A_2] : memref<8x1024xf32, #tpu.memory_space<hbm>> -> memref<1x32xf32, #tpu.memory_space<hbm>>
      %dma_start3A_147 = tpu.memref_squeeze %dma_start3A_146 : memref<1x32xf32, #tpu.memory_space<hbm>> -> memref<32xf32, #tpu.memory_space<hbm>>
      %dma_start3A_148 = tpu.memref_slice %arg5[%run_scoped3A_128, %mul3A_2] : memref<8x1024xf32, #tpu.memory_space<hbm>> -> memref<1x32xf32, #tpu.memory_space<hbm>>
      %dma_start3A_149 = tpu.memref_squeeze %dma_start3A_148 : memref<1x32xf32, #tpu.memory_space<hbm>> -> memref<32xf32, #tpu.memory_space<hbm>>
      tpu.enqueue_dma source(%arg9 : memref<32xf32, #tpu.memory_space<vmem>>) target(%dma_start3A_149 : memref<32xf32, #tpu.memory_space<hbm>>) target_semaphore(%run_scoped3A_145 : memref<!tpu.dma_semaphore, #tpu.memory_space<semaphore_mem>>)
      %dma_wait3A_150 = tpu.memref_slice %arg5[%run_scoped3A_128, %mul3A_2] : memref<8x1024xf32, #tpu.memory_space<hbm>> -> memref<1x32xf32, #tpu.memory_space<hbm>>
      %dma_wait3A_151 = tpu.memref_squeeze %dma_wait3A_150 : memref<1x32xf32, #tpu.memory_space<hbm>> -> memref<32xf32, #tpu.memory_space<hbm>>
      %dma_wait3A_152 = tpu.memref_slice %arg5[%run_scoped3A_128, %mul3A_2] : memref<8x1024xf32, #tpu.memory_space<hbm>> -> memref<1x32xf32, #tpu.memory_space<hbm>>
      %dma_wait3A_153 = tpu.memref_squeeze %dma_wait3A_152 : memref<1x32xf32, #tpu.memory_space<hbm>> -> memref<32xf32, #tpu.memory_space<hbm>>
      tpu.wait_dma2 semaphore(%run_scoped3A_145 : memref<!tpu.dma_semaphore, #tpu.memory_space<semaphore_mem>>) src(%arg9 : memref<32xf32, #tpu.memory_space<vmem>>) dst(%dma_wait3A_153 : memref<32xf32, #tpu.memory_space<hbm>>)
      tpu.yield
    }) : () -> ()
    %iota3A_129 = tpu.iota {dimensions = array<i32: 0>} : vector<16xi32>
    %broadcast_in_dim3A_130 = arith.constant 7 : i32
    %broadcast_in_dim3A_131 = vector.broadcast %broadcast_in_dim3A_130 : i32 to vector<16xi32>
    %gather3A_132 = tpu.vector_load_idx %arg8[%iota3A_129, %broadcast_in_dim3A_131] : memref<32x16xf32, #tpu.memory_space<vmem>>[vector<16xi32>, vector<16xi32>], vector<16xf32>,
    %iota3A_133 = tpu.iota {dimensions = array<i32: 0>} : vector<16xi32>
    %add3A_134 = arith.constant 16 : i32
    %add3A_135 = vector.broadcast %add3A_134 : i32 to vector<16xi32>
    %add3A_136 = arith.addi %iota3A_133, %add3A_135 : vector<16xi32>
    %broadcast_in_dim3A_137 = arith.constant 7 : i32
    %broadcast_in_dim3A_138 = vector.broadcast %broadcast_in_dim3A_137 : i32 to vector<16xi32>
    %gather3A_139 = tpu.vector_load_idx %arg8[%add3A_136, %broadcast_in_dim3A_138] : memref<32x16xf32, #tpu.memory_space<vmem>>[vector<16xi32>, vector<16xi32>], vector<16xf32>,
    %swap3A_140 = arith.constant 0 : index
    %swap3A_141 = tpu.vector_load %arg9[%swap3A_140] {strides = array<i32>} : memref<32xf32, #tpu.memory_space<vmem>>, vector<16xf32>,
    tpu.vector_store %arg9[%swap3A_140], %gather3A_132 {strides = array<i32>} : memref<32xf32, #tpu.memory_space<vmem>>, vector<16xf32>,
    %swap3A_142 = arith.constant 16 : index
    %swap3A_143 = tpu.vector_load %arg9[%swap3A_142] {strides = array<i32>} : memref<32xf32, #tpu.memory_space<vmem>>, vector<16xf32>,
    tpu.vector_store %arg9[%swap3A_142], %gather3A_139 {strides = array<i32>} : memref<32xf32, #tpu.memory_space<vmem>>, vector<16xf32>,
    %run_scoped3A_144 = arith.constant 7 : i32
    "tpu.region"() ({
      %run_scoped3A_145 = tpu.sem_alloc : memref<!tpu.dma_semaphore, #tpu.memory_space<semaphore_mem>>
      %dma_start3A_146 = tpu.memref_slice %arg5[%run_scoped3A_144, %mul3A_2] : memref<8x1024xf32, #tpu.memory_space<hbm>> -> memref<1x32xf32, #tpu.memory_space<hbm>>
      %dma_start3A_147 = tpu.memref_squeeze %dma_start3A_146 : memref<1x32xf32, #tpu.memory_space<hbm>> -> memref<32xf32, #tpu.memory_space<hbm>>
      %dma_start3A_148 = tpu.memref_slice %arg5[%run_scoped3A_144, %mul3A_2] : memref<8x1024xf32, #tpu.memory_space<hbm>> -> memref<1x32xf32, #tpu.memory_space<hbm>>
      %dma_start3A_149 = tpu.memref_squeeze %dma_start3A_148 : memref<1x32xf32, #tpu.memory_space<hbm>> -> memref<32xf32, #tpu.memory_space<hbm>>
      tpu.enqueue_dma source(%arg9 : memref<32xf32, #tpu.memory_space<vmem>>) target(%dma_start3A_149 : memref<32xf32, #tpu.memory_space<hbm>>) target_semaphore(%run_scoped3A_145 : memref<!tpu.dma_semaphore, #tpu.memory_space<semaphore_mem>>)
      %dma_wait3A_150 = tpu.memref_slice %arg5[%run_scoped3A_144, %mul3A_2] : memref<8x1024xf32, #tpu.memory_space<hbm>> -> memref<1x32xf32, #tpu.memory_space<hbm>>
      %dma_wait3A_151 = tpu.memref_squeeze %dma_wait3A_150 : memref<1x32xf32, #tpu.memory_space<hbm>> -> memref<32xf32, #tpu.memory_space<hbm>>
      %dma_wait3A_152 = tpu.memref_slice %arg5[%run_scoped3A_144, %mul3A_2] : memref<8x1024xf32, #tpu.memory_space<hbm>> -> memref<1x32xf32, #tpu.memory_space<hbm>>
      %dma_wait3A_153 = tpu.memref_squeeze %dma_wait3A_152 : memref<1x32xf32, #tpu.memory_space<hbm>> -> memref<32xf32, #tpu.memory_space<hbm>>
      tpu.wait_dma2 semaphore(%run_scoped3A_145 : memref<!tpu.dma_semaphore, #tpu.memory_space<semaphore_mem>>) src(%arg9 : memref<32xf32, #tpu.memory_space<vmem>>) dst(%dma_wait3A_153 : memref<32xf32, #tpu.memory_space<hbm>>)
      tpu.yield
    }) : () -> ()
    return
  }
}

module attributes {stable_mosaic.version = 14 : i64} {
  func.func @_dense_body(%arg0: i32, %arg1: memref<2000x80xf32, #tpu.memory_space<vmem>>, %arg2: memref<2000x4xf32, #tpu.memory_space<vmem>>, %arg3: memref<2000x4xf32, #tpu.memory_space<vmem>>, %arg4: memref<2000x1xf32, #tpu.memory_space<vmem>>, %arg5: memref<2000x16xf32, #tpu.memory_space<vmem>>, %arg6: memref<2000x1xf32, #tpu.memory_space<vmem>>) attributes {dimension_semantics = [#tpu.dimension_semantics<arbitrary>], iteration_bounds = array<i64: 10>, scalar_prefetch = 0 : i64, scratch_operands = 0 : i64, tpu.core_type = #tpu.core_type<tc>, window_params = [{transform_indices = @transform_0, window_bounds = array<i64: 2000, 80>}, {transform_indices = @transform_1, window_bounds = array<i64: 2000, 4>}, {transform_indices = @transform_2, window_bounds = array<i64: 2000, 4>}, {transform_indices = @transform_3, window_bounds = array<i64: 2000, 1>}, {transform_indices = @transform_4, window_bounds = array<i64: 2000, 16>}, {transform_indices = @transform_5, window_bounds = array<i64: 2000, 1>}]} {
    %get3A = arith.constant 0 : index
    %get3A_0 = arith.constant 0 : index
    %get3A_1 = vector.load %arg1[%get3A, %get3A_0] : memref<2000x80xf32, #tpu.memory_space<vmem>>, vector<2000x80xf32>
    %logistic3A = arith.negf %get3A_1 : vector<2000x80xf32>
    %logistic3A_2 = math.exp %logistic3A : vector<2000x80xf32>
    %logistic3A_3 = arith.constant 1.000000e+00 : f32
    %logistic3A_4 = vector.broadcast %logistic3A_3 : f32 to vector<2000x80xf32>
    %logistic3A_5 = arith.addf %logistic3A_4, %logistic3A_2 : vector<2000x80xf32>
    %logistic3A_6 = arith.divf %logistic3A_4, %logistic3A_5 : vector<2000x80xf32>
    %reduce_max3A = arith.constant dense<0xFF800000> : vector<2000xf32>
    %reduce_max3A_7 = vector.multi_reduction <maximumf>, %logistic3A_6, %reduce_max3A [1] : vector<2000x80xf32> to vector<2000xf32>
    %broadcast_in_dim3A = vector.shape_cast %reduce_max3A_7 : vector<2000xf32> to vector<2000x1xf32>
    %iota3A = tpu.iota {dimensions = array<i32: 1>} : vector<2000x80xi32>
    %convert_element_type3A = arith.sitofp %iota3A : vector<2000x80xi32> to vector<2000x80xf32>
    %eq3A = vector.broadcast %broadcast_in_dim3A : vector<2000x1xf32> to vector<2000x80xf32>
    %eq3A_8 = arith.cmpf oeq, %logistic3A_6, %eq3A : vector<2000x80xf32>
    %jit3A = arith.constant 8.000000e+01 : f32
    %broadcast_in_dim3A_9 = vector.broadcast %jit3A : f32 to vector<2000x80xf32>
    %select_n3A = arith.select %eq3A_8, %convert_element_type3A, %broadcast_in_dim3A_9 : vector<2000x80xi1>, vector<2000x80xf32>
    %reduce_min3A = arith.constant dense<0x7F800000> : vector<2000xf32>
    %reduce_min3A_10 = vector.multi_reduction <minimumf>, %select_n3A, %reduce_min3A [1] : vector<2000x80xf32> to vector<2000xf32>
    %broadcast_in_dim3A_11 = vector.shape_cast %reduce_min3A_10 : vector<2000xf32> to vector<2000x1xf32>
    %get3A_12 = arith.constant 0 : index
    %get3A_13 = arith.constant 0 : index
    %get3A_14 = vector.load %arg4[%get3A_12, %get3A_13] : memref<2000x1xf32, #tpu.memory_space<vmem>>, vector<2000x1xf32>
    %get3A_15 = arith.constant 0 : index
    %get3A_16 = arith.constant 0 : index
    %get3A_17 = vector.load %arg3[%get3A_15, %get3A_16] : memref<2000x4xf32, #tpu.memory_space<vmem>>, vector<2000x1xf32>
    %get3A_18 = arith.constant 0 : index
    %get3A_19 = arith.constant 1 : index
    %get3A_20 = vector.load %arg3[%get3A_18, %get3A_19] : memref<2000x4xf32, #tpu.memory_space<vmem>>, vector<2000x1xf32>
    %get3A_21 = arith.constant 0 : index
    %get3A_22 = arith.constant 2 : index
    %get3A_23 = vector.load %arg3[%get3A_21, %get3A_22] : memref<2000x4xf32, #tpu.memory_space<vmem>>, vector<2000x1xf32>
    %get3A_24 = arith.constant 0 : index
    %get3A_25 = arith.constant 3 : index
    %get3A_26 = vector.load %arg3[%get3A_24, %get3A_25] : memref<2000x4xf32, #tpu.memory_space<vmem>>, vector<2000x1xf32>
    %add3A = arith.addf %get3A_17, %get3A_23 : vector<2000x1xf32>
    %mul3A = arith.constant 5.000000e-01 : f32
    %mul3A_27 = vector.broadcast %mul3A : f32 to vector<2000x1xf32>
    %mul3A_28 = arith.mulf %add3A, %mul3A_27 : vector<2000x1xf32>
    %add3A_29 = arith.addf %get3A_20, %get3A_26 : vector<2000x1xf32>
    %mul3A_30 = arith.constant 5.000000e-01 : f32
    %mul3A_31 = vector.broadcast %mul3A_30 : f32 to vector<2000x1xf32>
    %mul3A_32 = arith.mulf %add3A_29, %mul3A_31 : vector<2000x1xf32>
    %sub3A = arith.subf %get3A_23, %get3A_17 : vector<2000x1xf32>
    %sub3A_33 = arith.subf %get3A_26, %get3A_20 : vector<2000x1xf32>
    %get3A_34 = arith.constant 0 : index
    %get3A_35 = arith.constant 0 : index
    %get3A_36 = vector.load %arg2[%get3A_34, %get3A_35] : memref<2000x4xf32, #tpu.memory_space<vmem>>, vector<2000x4xf32>
    %logistic3A_37 = arith.negf %get3A_36 : vector<2000x4xf32>
    %logistic3A_38 = math.exp %logistic3A_37 : vector<2000x4xf32>
    %logistic3A_39 = arith.constant 1.000000e+00 : f32
    %logistic3A_40 = vector.broadcast %logistic3A_39 : f32 to vector<2000x4xf32>
    %logistic3A_41 = arith.addf %logistic3A_40, %logistic3A_38 : vector<2000x4xf32>
    %logistic3A_42 = arith.divf %logistic3A_40, %logistic3A_41 : vector<2000x4xf32>
    %slice3A = vector.extract_strided_slice %logistic3A_42 {offsets = [0, 0], sizes = [2000, 1], strides = [1, 1]} : vector<2000x4xf32> to vector<2000x1xf32>
    %slice3A_43 = vector.extract_strided_slice %logistic3A_42 {offsets = [0, 1], sizes = [2000, 1], strides = [1, 1]} : vector<2000x4xf32> to vector<2000x1xf32>
    %slice3A_44 = vector.extract_strided_slice %logistic3A_42 {offsets = [0, 2], sizes = [2000, 1], strides = [1, 1]} : vector<2000x4xf32> to vector<2000x1xf32>
    %slice3A_45 = vector.extract_strided_slice %logistic3A_42 {offsets = [0, 3], sizes = [2000, 1], strides = [1, 1]} : vector<2000x4xf32> to vector<2000x1xf32>
    %sub3A_46 = arith.constant 5.000000e-01 : f32
    %sub3A_47 = vector.broadcast %sub3A_46 : f32 to vector<2000x1xf32>
    %sub3A_48 = arith.subf %slice3A, %sub3A_47 : vector<2000x1xf32>
    %mul3A_49 = arith.constant 2.000000e+00 : f32
    %mul3A_50 = vector.broadcast %mul3A_49 : f32 to vector<2000x1xf32>
    %mul3A_51 = arith.mulf %sub3A_48, %mul3A_50 : vector<2000x1xf32>
    %mul3A_52 = arith.mulf %mul3A_51, %get3A_14 : vector<2000x1xf32>
    %add3A_53 = arith.addf %mul3A_52, %mul3A_28 : vector<2000x1xf32>
    %sub3A_54 = arith.constant 5.000000e-01 : f32
    %sub3A_55 = vector.broadcast %sub3A_54 : f32 to vector<2000x1xf32>
    %sub3A_56 = arith.subf %slice3A_43, %sub3A_55 : vector<2000x1xf32>
    %mul3A_57 = arith.constant 2.000000e+00 : f32
    %mul3A_58 = vector.broadcast %mul3A_57 : f32 to vector<2000x1xf32>
    %mul3A_59 = arith.mulf %sub3A_56, %mul3A_58 : vector<2000x1xf32>
    %mul3A_60 = arith.mulf %mul3A_59, %get3A_14 : vector<2000x1xf32>
    %add3A_61 = arith.addf %mul3A_60, %mul3A_32 : vector<2000x1xf32>
    %mul3A_62 = arith.constant 2.000000e+00 : f32
    %mul3A_63 = vector.broadcast %mul3A_62 : f32 to vector<2000x1xf32>
    %mul3A_64 = arith.mulf %slice3A_44, %mul3A_63 : vector<2000x1xf32>
    %integer_pow3A = arith.mulf %mul3A_64, %mul3A_64 : vector<2000x1xf32>
    %mul3A_65 = arith.mulf %integer_pow3A, %sub3A : vector<2000x1xf32>
    %mul3A_66 = arith.constant 2.000000e+00 : f32
    %mul3A_67 = vector.broadcast %mul3A_66 : f32 to vector<2000x1xf32>
    %mul3A_68 = arith.mulf %slice3A_45, %mul3A_67 : vector<2000x1xf32>
    %integer_pow3A_69 = arith.mulf %mul3A_68, %mul3A_68 : vector<2000x1xf32>
    %mul3A_70 = arith.mulf %integer_pow3A_69, %sub3A_33 : vector<2000x1xf32>
    %mul3A_71 = arith.constant 5.000000e-01 : f32
    %mul3A_72 = vector.broadcast %mul3A_71 : f32 to vector<2000x1xf32>
    %mul3A_73 = arith.mulf %mul3A_65, %mul3A_72 : vector<2000x1xf32>
    %sub3A_74 = arith.subf %add3A_53, %mul3A_73 : vector<2000x1xf32>
    %mul3A_75 = arith.constant 5.000000e-01 : f32
    %mul3A_76 = vector.broadcast %mul3A_75 : f32 to vector<2000x1xf32>
    %mul3A_77 = arith.mulf %mul3A_70, %mul3A_76 : vector<2000x1xf32>
    %sub3A_78 = arith.subf %add3A_61, %mul3A_77 : vector<2000x1xf32>
    %mul3A_79 = arith.constant 5.000000e-01 : f32
    %mul3A_80 = vector.broadcast %mul3A_79 : f32 to vector<2000x1xf32>
    %mul3A_81 = arith.mulf %mul3A_65, %mul3A_80 : vector<2000x1xf32>
    %add3A_82 = arith.addf %add3A_53, %mul3A_81 : vector<2000x1xf32>
    %mul3A_83 = arith.constant 5.000000e-01 : f32
    %mul3A_84 = vector.broadcast %mul3A_83 : f32 to vector<2000x1xf32>
    %mul3A_85 = arith.mulf %mul3A_70, %mul3A_84 : vector<2000x1xf32>
    %add3A_86 = arith.addf %add3A_61, %mul3A_85 : vector<2000x1xf32>
    %broadcast_in_dim3A_87 = arith.constant 0.000000e+00 : f32
    %broadcast_in_dim3A_88 = vector.broadcast %broadcast_in_dim3A_87 : f32 to vector<2000x1xf32>
    %concatenate3A = tpu.concatenate %sub3A_74, %sub3A_78, %add3A_82, %add3A_86, %broadcast_in_dim3A, %broadcast_in_dim3A_11, %broadcast_in_dim3A_88, %broadcast_in_dim3A_88, %broadcast_in_dim3A_88, %broadcast_in_dim3A_88, %broadcast_in_dim3A_88, %broadcast_in_dim3A_88, %broadcast_in_dim3A_88, %broadcast_in_dim3A_88, %broadcast_in_dim3A_88, %broadcast_in_dim3A_88 in 1 : vector<2000x1xf32>, vector<2000x1xf32>, vector<2000x1xf32>, vector<2000x1xf32>, vector<2000x1xf32>, vector<2000x1xf32>, vector<2000x1xf32>, vector<2000x1xf32>, vector<2000x1xf32>, vector<2000x1xf32>, vector<2000x1xf32>, vector<2000x1xf32>, vector<2000x1xf32>, vector<2000x1xf32>, vector<2000x1xf32>, vector<2000x1xf32> -> vector<2000x16xf32>
    %swap3A = arith.constant 0 : index
    %swap3A_89 = arith.constant 0 : index
    %swap3A_90 = vector.load %arg5[%swap3A, %swap3A_89] : memref<2000x16xf32, #tpu.memory_space<vmem>>, vector<2000x16xf32>
    tpu.vector_store %arg5[%swap3A, %swap3A_89], %concatenate3A {strides = array<i32>} : memref<2000x16xf32, #tpu.memory_space<vmem>>, vector<2000x16xf32>,
    %swap3A_91 = arith.constant 0 : index
    %swap3A_92 = arith.constant 0 : index
    %swap3A_93 = vector.load %arg6[%swap3A_91, %swap3A_92] : memref<2000x1xf32, #tpu.memory_space<vmem>>, vector<2000x1xf32>
    tpu.vector_store %arg6[%swap3A_91, %swap3A_92], %broadcast_in_dim3A {strides = array<i32>} : memref<2000x1xf32, #tpu.memory_space<vmem>>, vector<2000x1xf32>,
    return
  }
  func.func @transform_0(%arg0: i32) -> (i32, i32) {
    %c0_i32 = arith.constant 0 : i32
    %c0_i32_0 = arith.constant 0 : i32
    return %arg0, %c0_i32 : i32, i32
  }
  func.func @transform_1(%arg0: i32) -> (i32, i32) {
    %c0_i32 = arith.constant 0 : i32
    %c0_i32_0 = arith.constant 0 : i32
    return %arg0, %c0_i32 : i32, i32
  }
  func.func @transform_2(%arg0: i32) -> (i32, i32) {
    %c0_i32 = arith.constant 0 : i32
    %c0_i32_0 = arith.constant 0 : i32
    return %arg0, %c0_i32 : i32, i32
  }
  func.func @transform_3(%arg0: i32) -> (i32, i32) {
    %c0_i32 = arith.constant 0 : i32
    %c0_i32_0 = arith.constant 0 : i32
    return %arg0, %c0_i32 : i32, i32
  }
  func.func @transform_4(%arg0: i32) -> (i32, i32) {
    %c0_i32 = arith.constant 0 : i32
    %c0_i32_0 = arith.constant 0 : i32
    return %arg0, %c0_i32 : i32, i32
  }
  func.func @transform_5(%arg0: i32) -> (i32, i32) {
    %c0_i32 = arith.constant 0 : i32
    %c0_i32_0 = arith.constant 0 : i32
    return %arg0, %c0_i32 : i32, i32
  }
}

module attributes {stable_mosaic.version = 14 : i64} {
  func.func @_select_body(%arg0: memref<160x128xf32, #tpu.memory_space<vmem>>, %arg1: memref<160x128xi32, #tpu.memory_space<vmem>>) attributes {dimension_semantics = [], scalar_prefetch = 0 : i64, scratch_operands = 0 : i64, tpu.core_type = #tpu.core_type<tc>} {
    %get3A = arith.constant 0 : index
    %get3A_0 = arith.constant 0 : index
    %get3A_1 = vector.load %arg0[%get3A, %get3A_0] : memref<160x128xf32, #tpu.memory_space<vmem>>, vector<160x128xf32>
    %bitcast_convert_type3A = tpu.bitcast %get3A_1 : vector<160x128xf32> -> vector<160x128xi32>
    %scan3A = arith.constant 0 : i32
    %scan3A_2 = arith.constant 1073741824 : i32
    %scan3A_3 = arith.constant 0 : i32
    %scan3A_4 = arith.constant 30 : i32
    %scan3A_5 = arith.addi %scan3A_3, %scan3A_4 : i32
    %scan3A_6 = arith.constant 1 : i32
    %scan3A_7:2 = scf.for %scan3A_59 = %scan3A_3 to %scan3A_5 step %scan3A_6 iter_args(%scan3A_60 = %scan3A, %scan3A_61 = %scan3A_2) -> (i32, i32)  : i32 {
      %add3A_62 = arith.addi %scan3A_60, %scan3A_61 : i32
      %shift_right_arithmetic3A = arith.constant 1 : i32
      %shift_right_arithmetic3A_63 = arith.shrsi %add3A_62, %shift_right_arithmetic3A : i32
      %ge3A = vector.broadcast %shift_right_arithmetic3A_63 : i32 to vector<160x128xi32>
      %ge3A_64 = arith.cmpi sge, %bitcast_convert_type3A, %ge3A : vector<160x128xi32>
      %convert_element_type3A_65 = arith.extui %ge3A_64 : vector<160x128xi1> to vector<160x128xi32>
      %reduce_sum3A_66 = vector.shape_cast %convert_element_type3A_65 : vector<160x128xi32> to vector<1x160x128xi32>
      %reduce_sum3A_67 = arith.constant dense<0> : vector<1xi32>
      %reduce_sum3A_68 = vector.multi_reduction <add>, %reduce_sum3A_66, %reduce_sum3A_67 [1, 2] : vector<1x160x128xi32> to vector<1xi32>
      %reduce_sum3A_69 = vector.shape_cast %reduce_sum3A_68 : vector<1xi32> to vector<1x1x1xi32>
      %reduce_sum3A_70 = vector.extract %reduce_sum3A_69[0, 0, 0] : i32 from vector<1x1x1xi32>
      %ge3A_71 = arith.constant 1000 : i32
      %ge3A_72 = arith.cmpi sge, %reduce_sum3A_70, %ge3A_71 : i32
      %select_n3A_73 = arith.select %ge3A_72, %shift_right_arithmetic3A_63, %scan3A_60 : i32
      %select_n3A_74 = arith.select %ge3A_72, %scan3A_61, %shift_right_arithmetic3A_63 : i32
      scf.yield %select_n3A_73, %select_n3A_74 : i32, i32
    }
    %gt3A = vector.broadcast %scan3A_7#0 : i32 to vector<160x128xi32>
    %gt3A_8 = arith.cmpi sgt, %bitcast_convert_type3A, %gt3A : vector<160x128xi32>
    %convert_element_type3A = arith.extui %gt3A_8 : vector<160x128xi1> to vector<160x128xi32>
    %reduce_sum3A = vector.shape_cast %convert_element_type3A : vector<160x128xi32> to vector<1x160x128xi32>
    %reduce_sum3A_9 = arith.constant dense<0> : vector<1xi32>
    %reduce_sum3A_10 = vector.multi_reduction <add>, %reduce_sum3A, %reduce_sum3A_9 [1, 2] : vector<1x160x128xi32> to vector<1xi32>
    %reduce_sum3A_11 = vector.shape_cast %reduce_sum3A_10 : vector<1xi32> to vector<1x1x1xi32>
    %reduce_sum3A_12 = vector.extract %reduce_sum3A_11[0, 0, 0] : i32 from vector<1x1x1xi32>
    %sub3A = arith.constant 1000 : i32
    %sub3A_13 = arith.subi %sub3A, %reduce_sum3A_12 : i32
    %convert_element_type3A_14 = arith.sitofp %sub3A_13 : i32 to f32
    %gt3A_15 = vector.broadcast %scan3A_7#0 : i32 to vector<160x128xi32>
    %gt3A_16 = arith.cmpi sgt, %bitcast_convert_type3A, %gt3A_15 : vector<160x128xi32>
    %convert_element_type3A_17 = arith.extui %gt3A_16 : vector<160x128xi1> to vector<160x128xi32>
    %convert_element_type3A_18 = arith.sitofp %convert_element_type3A_17 : vector<160x128xi32> to vector<160x128xf32>
    %eq3A = vector.broadcast %scan3A_7#0 : i32 to vector<160x128xi32>
    %eq3A_19 = arith.cmpi eq, %bitcast_convert_type3A, %eq3A : vector<160x128xi32>
    %convert_element_type3A_20 = arith.extui %eq3A_19 : vector<160x128xi1> to vector<160x128xi32>
    %convert_element_type3A_21 = arith.sitofp %convert_element_type3A_20 : vector<160x128xi32> to vector<160x128xf32>
    %iota3A = tpu.iota {dimensions = array<i32: 0>} : vector<160x160xi32>
    %iota3A_22 = tpu.iota {dimensions = array<i32: 1>} : vector<160x160xi32>
    %lt3A = arith.cmpi slt, %iota3A_22, %iota3A : vector<160x160xi32>
    %convert_element_type3A_23 = arith.extui %lt3A : vector<160x160xi1> to vector<160x160xi32>
    %convert_element_type3A_24 = arith.sitofp %convert_element_type3A_23 : vector<160x160xi32> to vector<160x160xf32>
    %iota3A_25 = tpu.iota {dimensions = array<i32: 0>} : vector<128x128xi32>
    %iota3A_26 = tpu.iota {dimensions = array<i32: 1>} : vector<128x128xi32>
    %lt3A_27 = arith.cmpi slt, %iota3A_25, %iota3A_26 : vector<128x128xi32>
    %convert_element_type3A_28 = arith.extui %lt3A_27 : vector<128x128xi1> to vector<128x128xi32>
    %convert_element_type3A_29 = arith.sitofp %convert_element_type3A_28 : vector<128x128xi32> to vector<128x128xf32>
    %broadcast_in_dim3A = arith.constant 1.000000e+00 : f32
    %broadcast_in_dim3A_30 = vector.broadcast %broadcast_in_dim3A : f32 to vector<128x1xf32>
    %dot_general3A = arith.constant dense<0.000000e+00> : vector<160x128xf32>
    %dot_general3A_31 = tpu.matmul %convert_element_type3A_24, %convert_element_type3A_18, %dot_general3A {dimension_numbers = #tpu.dot_dimension_numbers<[1], [0], [0], [1], [0, 0, 1, 1], [], []>, transpose_lhs_hint = false} : vector<160x160xf32>, vector<160x128xf32>, vector<160x128xf32> -> vector<160x128xf32>
    %dot_general3A_32 = arith.constant dense<0.000000e+00> : vector<160x1xf32>
    %dot_general3A_33 = tpu.matmul %dot_general3A_31, %broadcast_in_dim3A_30, %dot_general3A_32 {dimension_numbers = #tpu.dot_dimension_numbers<[1], [0], [0], [1], [0, 0, 1, 1], [], []>, transpose_lhs_hint = false} : vector<160x128xf32>, vector<128x1xf32>, vector<160x1xf32> -> vector<160x1xf32>
    %dot_general3A_34 = arith.constant dense<0.000000e+00> : vector<160x128xf32>
    %dot_general3A_35 = tpu.matmul %convert_element_type3A_18, %convert_element_type3A_29, %dot_general3A_34 {dimension_numbers = #tpu.dot_dimension_numbers<[1], [0], [0], [1], [0, 0, 1, 1], [], []>, transpose_lhs_hint = false} : vector<160x128xf32>, vector<128x128xf32>, vector<160x128xf32> -> vector<160x128xf32>
    %add3A = vector.broadcast %dot_general3A_33 : vector<160x1xf32> to vector<160x128xf32>
    %add3A_36 = arith.addf %add3A, %dot_general3A_35 : vector<160x128xf32>
    %dot_general3A_37 = arith.constant dense<0.000000e+00> : vector<160x128xf32>
    %dot_general3A_38 = tpu.matmul %convert_element_type3A_24, %convert_element_type3A_21, %dot_general3A_37 {dimension_numbers = #tpu.dot_dimension_numbers<[1], [0], [0], [1], [0, 0, 1, 1], [], []>, transpose_lhs_hint = false} : vector<160x160xf32>, vector<160x128xf32>, vector<160x128xf32> -> vector<160x128xf32>
    %dot_general3A_39 = arith.constant dense<0.000000e+00> : vector<160x1xf32>
    %dot_general3A_40 = tpu.matmul %dot_general3A_38, %broadcast_in_dim3A_30, %dot_general3A_39 {dimension_numbers = #tpu.dot_dimension_numbers<[1], [0], [0], [1], [0, 0, 1, 1], [], []>, transpose_lhs_hint = false} : vector<160x128xf32>, vector<128x1xf32>, vector<160x1xf32> -> vector<160x1xf32>
    %dot_general3A_41 = arith.constant dense<0.000000e+00> : vector<160x128xf32>
    %dot_general3A_42 = tpu.matmul %convert_element_type3A_21, %convert_element_type3A_29, %dot_general3A_41 {dimension_numbers = #tpu.dot_dimension_numbers<[1], [0], [0], [1], [0, 0, 1, 1], [], []>, transpose_lhs_hint = false} : vector<160x128xf32>, vector<128x128xf32>, vector<160x128xf32> -> vector<160x128xf32>
    %add3A_43 = vector.broadcast %dot_general3A_40 : vector<160x1xf32> to vector<160x128xf32>
    %add3A_44 = arith.addf %add3A_43, %dot_general3A_42 : vector<160x128xf32>
    %gt3A_45 = arith.constant 0.000000e+00 : f32
    %gt3A_46 = vector.broadcast %gt3A_45 : f32 to vector<160x128xf32>
    %gt3A_47 = arith.cmpf ogt, %convert_element_type3A_18, %gt3A_46 : vector<160x128xf32>
    %gt3A_48 = arith.constant 0.000000e+00 : f32
    %gt3A_49 = vector.broadcast %gt3A_48 : f32 to vector<160x128xf32>
    %gt3A_50 = arith.cmpf ogt, %convert_element_type3A_21, %gt3A_49 : vector<160x128xf32>
    %lt3A_51 = vector.broadcast %convert_element_type3A_14 : f32 to vector<160x128xf32>
    %lt3A_52 = arith.cmpf olt, %add3A_44, %lt3A_51 : vector<160x128xf32>
    %and3A = arith.andi %gt3A_50, %lt3A_52 : vector<160x128xi1>
    %or3A = arith.ori %gt3A_47, %and3A : vector<160x128xi1>
    %min3A = vector.broadcast %convert_element_type3A_14 : f32 to vector<160x128xf32>
    %min3A_53 = arith.minimumf %add3A_44, %min3A : vector<160x128xf32>
    %add3A_54 = arith.addf %add3A_36, %min3A_53 : vector<160x128xf32>
    %convert_element_type3A_55 = arith.fptosi %add3A_54 : vector<160x128xf32> to vector<160x128xi32>
    %jit3A = arith.constant -1 : i32
    %broadcast_in_dim3A_56 = vector.broadcast %jit3A : i32 to vector<160x128xi32>
    %select_n3A = arith.select %or3A, %convert_element_type3A_55, %broadcast_in_dim3A_56 : vector<160x128xi1>, vector<160x128xi32>
    %swap3A = arith.constant 0 : index
    %swap3A_57 = arith.constant 0 : index
    %swap3A_58 = vector.load %arg1[%swap3A, %swap3A_57] : memref<160x128xi32, #tpu.memory_space<vmem>>, vector<160x128xi32>
    tpu.vector_store %arg1[%swap3A, %swap3A_57], %select_n3A {strides = array<i32>} : memref<160x128xi32, #tpu.memory_space<vmem>>, vector<160x128xi32>,
    return
  }
}

module attributes {stable_mosaic.version = 14 : i64} {
  func.func @_final_body(%arg0: memref<1024x16xf32, #tpu.memory_space<vmem>>, %arg1: memref<8x1024xf32, #tpu.memory_space<vmem>>, %arg2: memref<128x16xf32, #tpu.memory_space<vmem>>, %arg3: memref<1024x16xf32, #tpu.memory_space<vmem>>, %arg4: memref<1024x1024xf32, #tpu.memory_space<vmem>>) attributes {dimension_semantics = [], scalar_prefetch = 0 : i64, scratch_operands = 2 : i64, tpu.core_type = #tpu.core_type<tc>} {
    %iota3A = tpu.iota {dimensions = array<i32: 0>} : vector<1024x1024xi32>
    %iota3A_0 = tpu.iota {dimensions = array<i32: 1>} : vector<1024x1024xi32>
    %get3A = arith.constant 0 : index
    %get3A_1 = arith.constant 4 : index
    %get3A_2 = vector.load %arg0[%get3A, %get3A_1] : memref<1024x16xf32, #tpu.memory_space<vmem>>, vector<1024x1xf32>
    %get3A_3 = arith.constant 4 : index
    %get3A_4 = arith.constant 0 : index
    %get3A_5 = vector.load %arg1[%get3A_3, %get3A_4] : memref<8x1024xf32, #tpu.memory_space<vmem>>, vector<1x1024xf32>
    %lt3A = arith.constant 1000 : i32
    %lt3A_6 = vector.broadcast %lt3A : i32 to vector<1024x1024xi32>
    %lt3A_7 = arith.cmpi slt, %iota3A, %lt3A_6 : vector<1024x1024xi32>
    %lt3A_8 = arith.constant 1000 : i32
    %lt3A_9 = vector.broadcast %lt3A_8 : i32 to vector<1024x1024xi32>
    %lt3A_10 = arith.cmpi slt, %iota3A_0, %lt3A_9 : vector<1024x1024xi32>
    %gt3A = vector.broadcast %get3A_2 : vector<1024x1xf32> to vector<1024x1024xf32>
    %gt3A_11 = vector.broadcast %get3A_5 : vector<1x1024xf32> to vector<1024x1024xf32>
    %gt3A_12 = arith.cmpf ogt, %gt3A, %gt3A_11 : vector<1024x1024xf32>
    %eq3A = vector.broadcast %get3A_2 : vector<1024x1xf32> to vector<1024x1024xf32>
    %eq3A_13 = vector.broadcast %get3A_5 : vector<1x1024xf32> to vector<1024x1024xf32>
    %eq3A_14 = arith.cmpf oeq, %eq3A, %eq3A_13 : vector<1024x1024xf32>
    %lt3A_15 = arith.cmpi slt, %iota3A, %iota3A_0 : vector<1024x1024xi32>
    %and3A = arith.andi %eq3A_14, %lt3A_15 : vector<1024x1024xi1>
    %or3A = arith.ori %gt3A_12, %and3A : vector<1024x1024xi1>
    %and3A_16 = arith.andi %lt3A_7, %lt3A_10 : vector<1024x1024xi1>
    %and3A_17 = arith.andi %and3A_16, %or3A : vector<1024x1024xi1>
    %not3A = arith.constant dense<true> : vector<1024x1024xi1>
    %not3A_18 = arith.xori %lt3A_10, %not3A : vector<1024x1024xi1>
    %and3A_19 = arith.andi %lt3A_7, %not3A_18 : vector<1024x1024xi1>
    %or3A_20 = arith.ori %and3A_17, %and3A_19 : vector<1024x1024xi1>
    %not3A_21 = arith.constant dense<true> : vector<1024x1024xi1>
    %not3A_22 = arith.xori %lt3A_7, %not3A_21 : vector<1024x1024xi1>
    %not3A_23 = arith.constant dense<true> : vector<1024x1024xi1>
    %not3A_24 = arith.xori %lt3A_10, %not3A_23 : vector<1024x1024xi1>
    %and3A_25 = arith.andi %not3A_22, %not3A_24 : vector<1024x1024xi1>
    %lt3A_26 = arith.cmpi slt, %iota3A, %iota3A_0 : vector<1024x1024xi32>
    %and3A_27 = arith.andi %and3A_25, %lt3A_26 : vector<1024x1024xi1>
    %or3A_28 = arith.ori %or3A_20, %and3A_27 : vector<1024x1024xi1>
    %convert_element_type3A = arith.extui %or3A_28 : vector<1024x1024xi1> to vector<1024x1024xi32>
    %convert_element_type3A_29 = arith.sitofp %convert_element_type3A : vector<1024x1024xi32> to vector<1024x1024xf32>
    %broadcast_in_dim3A = arith.constant 1.000000e+00 : f32
    %broadcast_in_dim3A_30 = vector.broadcast %broadcast_in_dim3A : f32 to vector<1x1024xf32>
    %broadcast_in_dim3A_31 = arith.constant 1.000000e+00 : f32
    %broadcast_in_dim3A_32 = vector.broadcast %broadcast_in_dim3A_31 : f32 to vector<1024x1xf32>
    %dot_general3A = arith.constant dense<0.000000e+00> : vector<1x1024xf32>
    %dot_general3A_33 = tpu.matmul %broadcast_in_dim3A_30, %convert_element_type3A_29, %dot_general3A {dimension_numbers = #tpu.dot_dimension_numbers<[1], [0], [0], [1], [0, 0, 1, 1], [], []>, transpose_lhs_hint = false} : vector<1x1024xf32>, vector<1024x1024xf32>, vector<1x1024xf32> -> vector<1x1024xf32>
    %dot_general3A_34 = arith.constant dense<0.000000e+00> : vector<1024x1xf32>
    %dot_general3A_35 = tpu.matmul %convert_element_type3A_29, %broadcast_in_dim3A_32, %dot_general3A_34 {dimension_numbers = #tpu.dot_dimension_numbers<[1], [0], [0], [1], [0, 0, 1, 1], [], []>, transpose_lhs_hint = false} : vector<1024x1024xf32>, vector<1024x1xf32>, vector<1024x1xf32> -> vector<1024x1xf32>
    %sub3A = arith.constant 1.023000e+03 : f32
    %sub3A_36 = vector.broadcast %sub3A : f32 to vector<1024x1xf32>
    %sub3A_37 = arith.subf %sub3A_36, %dot_general3A_35 : vector<1024x1xf32>
    %convert_element_type3A_38 = arith.sitofp %iota3A : vector<1024x1024xi32> to vector<1024x1024xf32>
    %eq3A_39 = vector.broadcast %dot_general3A_33 : vector<1x1024xf32> to vector<1024x1024xf32>
    %eq3A_40 = arith.cmpf oeq, %convert_element_type3A_38, %eq3A_39 : vector<1024x1024xf32>
    %convert_element_type3A_41 = arith.extui %eq3A_40 : vector<1024x1024xi1> to vector<1024x1024xi32>
    %convert_element_type3A_42 = arith.sitofp %convert_element_type3A_41 : vector<1024x1024xi32> to vector<1024x1024xf32>
    %convert_element_type3A_43 = arith.sitofp %iota3A_0 : vector<1024x1024xi32> to vector<1024x1024xf32>
    %eq3A_44 = vector.broadcast %sub3A_37 : vector<1024x1xf32> to vector<1024x1024xf32>
    %eq3A_45 = arith.cmpf oeq, %eq3A_44, %convert_element_type3A_43 : vector<1024x1024xf32>
    %convert_element_type3A_46 = arith.extui %eq3A_45 : vector<1024x1024xi1> to vector<1024x1024xi32>
    %convert_element_type3A_47 = arith.sitofp %convert_element_type3A_46 : vector<1024x1024xi32> to vector<1024x1024xf32>
    %get3A_48 = arith.constant 0 : index
    %get3A_49 = arith.constant 0 : index
    %get3A_50 = vector.load %arg0[%get3A_48, %get3A_49] : memref<1024x16xf32, #tpu.memory_space<vmem>>, vector<1024x16xf32>
    %dot_general3A_51 = arith.constant dense<0.000000e+00> : vector<1024x16xf32>
    %dot_general3A_52 = tpu.matmul %convert_element_type3A_42, %get3A_50, %dot_general3A_51 {dimension_numbers = #tpu.dot_dimension_numbers<[1], [0], [0], [1], [0, 0, 1, 1], [], []>, precision = #tpu.contract_precision<fp32>, transpose_lhs_hint = false} : vector<1024x1024xf32>, vector<1024x16xf32>, vector<1024x16xf32> -> vector<1024x16xf32>
    %swap3A = arith.constant 0 : index
    %swap3A_53 = arith.constant 0 : index
    %swap3A_54 = vector.load %arg3[%swap3A, %swap3A_53] : memref<1024x16xf32, #tpu.memory_space<vmem>>, vector<1024x16xf32>
    tpu.vector_store %arg3[%swap3A, %swap3A_53], %dot_general3A_52 {strides = array<i32>} : memref<1024x16xf32, #tpu.memory_space<vmem>>, vector<1024x16xf32>,
    %get3A_55 = arith.constant 0 : index
    %get3A_56 = arith.constant 0 : index
    %get3A_57 = vector.load %arg1[%get3A_55, %get3A_56] : memref<8x1024xf32, #tpu.memory_space<vmem>>, vector<8x1024xf32>
    %dot_general3A_58 = arith.constant dense<0.000000e+00> : vector<8x1024xf32>
    %dot_general3A_59 = tpu.matmul %get3A_57, %convert_element_type3A_47, %dot_general3A_58 {dimension_numbers = #tpu.dot_dimension_numbers<[1], [0], [0], [1], [0, 0, 1, 1], [], []>, precision = #tpu.contract_precision<fp32>, transpose_lhs_hint = false} : vector<8x1024xf32>, vector<1024x1024xf32>, vector<8x1024xf32> -> vector<8x1024xf32>
    %get3A_60 = arith.constant 0 : index
    %get3A_61 = arith.constant 0 : index
    %get3A_62 = vector.load %arg3[%get3A_60, %get3A_61] : memref<1024x16xf32, #tpu.memory_space<vmem>>, vector<1024x1xf32>
    %get3A_63 = arith.constant 0 : index
    %get3A_64 = arith.constant 1 : index
    %get3A_65 = vector.load %arg3[%get3A_63, %get3A_64] : memref<1024x16xf32, #tpu.memory_space<vmem>>, vector<1024x1xf32>
    %get3A_66 = arith.constant 0 : index
    %get3A_67 = arith.constant 2 : index
    %get3A_68 = vector.load %arg3[%get3A_66, %get3A_67] : memref<1024x16xf32, #tpu.memory_space<vmem>>, vector<1024x1xf32>
    %get3A_69 = arith.constant 0 : index
    %get3A_70 = arith.constant 3 : index
    %get3A_71 = vector.load %arg3[%get3A_69, %get3A_70] : memref<1024x16xf32, #tpu.memory_space<vmem>>, vector<1024x1xf32>
    %get3A_72 = arith.constant 0 : index
    %get3A_73 = arith.constant 4 : index
    %get3A_74 = vector.load %arg3[%get3A_72, %get3A_73] : memref<1024x16xf32, #tpu.memory_space<vmem>>, vector<1024x1xf32>
    %slice3A = vector.extract_strided_slice %dot_general3A_59 {offsets = [0, 0], sizes = [1, 1024], strides = [1, 1]} : vector<8x1024xf32> to vector<1x1024xf32>
    %slice3A_75 = vector.extract_strided_slice %dot_general3A_59 {offsets = [1, 0], sizes = [1, 1024], strides = [1, 1]} : vector<8x1024xf32> to vector<1x1024xf32>
    %slice3A_76 = vector.extract_strided_slice %dot_general3A_59 {offsets = [2, 0], sizes = [1, 1024], strides = [1, 1]} : vector<8x1024xf32> to vector<1x1024xf32>
    %slice3A_77 = vector.extract_strided_slice %dot_general3A_59 {offsets = [3, 0], sizes = [1, 1024], strides = [1, 1]} : vector<8x1024xf32> to vector<1x1024xf32>
    %max3A = vector.broadcast %get3A_62 : vector<1024x1xf32> to vector<1024x1024xf32>
    %max3A_78 = vector.broadcast %slice3A : vector<1x1024xf32> to vector<1024x1024xf32>
    %max3A_79 = arith.maximumf %max3A, %max3A_78 : vector<1024x1024xf32>
    %max3A_80 = vector.broadcast %get3A_65 : vector<1024x1xf32> to vector<1024x1024xf32>
    %max3A_81 = vector.broadcast %slice3A_75 : vector<1x1024xf32> to vector<1024x1024xf32>
    %max3A_82 = arith.maximumf %max3A_80, %max3A_81 : vector<1024x1024xf32>
    %min3A = vector.broadcast %get3A_68 : vector<1024x1xf32> to vector<1024x1024xf32>
    %min3A_83 = vector.broadcast %slice3A_76 : vector<1x1024xf32> to vector<1024x1024xf32>
    %min3A_84 = arith.minimumf %min3A, %min3A_83 : vector<1024x1024xf32>
    %min3A_85 = vector.broadcast %get3A_71 : vector<1024x1xf32> to vector<1024x1024xf32>
    %min3A_86 = vector.broadcast %slice3A_77 : vector<1x1024xf32> to vector<1024x1024xf32>
    %min3A_87 = arith.minimumf %min3A_85, %min3A_86 : vector<1024x1024xf32>
    %sub3A_88 = arith.subf %min3A_84, %max3A_79 : vector<1024x1024xf32>
    %jit3A = arith.constant 0.000000e+00 : f32
    %max3A_89 = vector.broadcast %jit3A : f32 to vector<1024x1024xf32>
    %max3A_90 = arith.maximumf %max3A_89, %sub3A_88 : vector<1024x1024xf32>
    %sub3A_91 = arith.subf %min3A_87, %max3A_82 : vector<1024x1024xf32>
    %jit3A_92 = arith.constant 0.000000e+00 : f32
    %max3A_93 = vector.broadcast %jit3A_92 : f32 to vector<1024x1024xf32>
    %max3A_94 = arith.maximumf %max3A_93, %sub3A_91 : vector<1024x1024xf32>
    %mul3A = arith.mulf %max3A_90, %max3A_94 : vector<1024x1024xf32>
    %sub3A_95 = arith.subf %get3A_68, %get3A_62 : vector<1024x1xf32>
    %sub3A_96 = arith.subf %get3A_71, %get3A_65 : vector<1024x1xf32>
    %mul3A_97 = arith.mulf %sub3A_95, %sub3A_96 : vector<1024x1xf32>
    %sub3A_98 = arith.subf %slice3A_76, %slice3A : vector<1x1024xf32>
    %sub3A_99 = arith.subf %slice3A_77, %slice3A_75 : vector<1x1024xf32>
    %mul3A_100 = arith.mulf %sub3A_98, %sub3A_99 : vector<1x1024xf32>
    %add3A = vector.broadcast %mul3A_97 : vector<1024x1xf32> to vector<1024x1024xf32>
    %add3A_101 = vector.broadcast %mul3A_100 : vector<1x1024xf32> to vector<1024x1024xf32>
    %add3A_102 = arith.addf %add3A, %add3A_101 : vector<1024x1024xf32>
    %sub3A_103 = arith.subf %add3A_102, %mul3A : vector<1024x1024xf32>
    %add3A_104 = arith.constant 1.000000e-07 : f32
    %add3A_105 = vector.broadcast %add3A_104 : f32 to vector<1024x1024xf32>
    %add3A_106 = arith.addf %sub3A_103, %add3A_105 : vector<1024x1024xf32>
    %div3A = arith.divf %mul3A, %add3A_106 : vector<1024x1024xf32>
    %gt3A_107 = arith.constant 6.500000e-01 : f32
    %gt3A_108 = vector.broadcast %gt3A_107 : f32 to vector<1024x1024xf32>
    %gt3A_109 = arith.cmpf ogt, %div3A, %gt3A_108 : vector<1024x1024xf32>
    %gt3A_110 = arith.cmpi sgt, %iota3A_0, %iota3A : vector<1024x1024xi32>
    %and3A_111 = arith.andi %gt3A_109, %gt3A_110 : vector<1024x1024xi1>
    %lt3A_112 = arith.constant 1000 : i32
    %lt3A_113 = vector.broadcast %lt3A_112 : i32 to vector<1024x1024xi32>
    %lt3A_114 = arith.cmpi slt, %iota3A, %lt3A_113 : vector<1024x1024xi32>
    %and3A_115 = arith.andi %and3A_111, %lt3A_114 : vector<1024x1024xi1>
    %gt3A_116 = arith.constant 2.500000e-01 : f32
    %gt3A_117 = vector.broadcast %gt3A_116 : f32 to vector<1024x1xf32>
    %gt3A_118 = arith.cmpf ogt, %get3A_74, %gt3A_117 : vector<1024x1xf32>
    %and3A_119 = vector.broadcast %gt3A_118 : vector<1024x1xi1> to vector<1024x1024xi1>
    %and3A_120 = arith.andi %and3A_115, %and3A_119 : vector<1024x1024xi1>
    %convert_element_type3A_121 = arith.extui %and3A_120 : vector<1024x1024xi1> to vector<1024x1024xi32>
    %convert_element_type3A_122 = arith.sitofp %convert_element_type3A_121 : vector<1024x1024xi32> to vector<1024x1024xf32>
    %swap3A_123 = arith.constant 0 : index
    %swap3A_124 = arith.constant 0 : index
    %swap3A_125 = vector.load %arg4[%swap3A_123, %swap3A_124] : memref<1024x1024xf32, #tpu.memory_space<vmem>>, vector<1024x1024xf32>
    tpu.vector_store %arg4[%swap3A_123, %swap3A_124], %convert_element_type3A_122 {strides = array<i32>} : memref<1024x1024xf32, #tpu.memory_space<vmem>>, vector<1024x1024xf32>,
    %iota3A_126 = tpu.iota {dimensions = array<i32: 1>} : vector<1x128xi32>
    %broadcast_in_dim3A_127 = arith.constant 0.000000e+00 : f32
    %broadcast_in_dim3A_128 = vector.broadcast %broadcast_in_dim3A_127 : f32 to vector<1x1024xf32>
    %slice3A_129 = vector.extract_strided_slice %broadcast_in_dim3A_128 {offsets = [0, 0], sizes = [1, 128], strides = [1, 1]} : vector<1x1024xf32> to vector<1x128xf32>
    %scan3A = arith.constant 0 : i32
    %scan3A_130 = arith.constant 128 : i32
    %scan3A_131 = arith.addi %scan3A, %scan3A_130 : i32
    %scan3A_132 = arith.constant 1 : i32
    %scan3A_133 = scf.for %scan3A_394 = %scan3A to %scan3A_131 step %scan3A_132 iter_args(%scan3A_395 = %slice3A_129) -> (vector<1x128xf32>)  : i32 {
      %add3A_396 = arith.constant 0 : i32
      %add3A_397 = arith.addi %add3A_396, %scan3A_394 : i32
      %get3A_398 = arith.index_cast %add3A_397 : i32 to index
      %get3A_399 = arith.constant 0 : index
      %get3A_400 = vector.load %arg4[%get3A_398, %get3A_399] : memref<1024x1024xf32, #tpu.memory_space<vmem>>, vector<1x1024xf32>
      %slice3A_401 = vector.extract_strided_slice %get3A_400 {offsets = [0, 0], sizes = [1, 128], strides = [1, 1]} : vector<1x1024xf32> to vector<1x128xf32>
      %eq3A_402 = vector.broadcast %scan3A_394 : i32 to vector<1x128xi32>
      %eq3A_403 = arith.cmpi eq, %iota3A_126, %eq3A_402 : vector<1x128xi32>
      %convert_element_type3A_404 = arith.extui %eq3A_403 : vector<1x128xi1> to vector<1x128xi32>
      %convert_element_type3A_405 = arith.sitofp %convert_element_type3A_404 : vector<1x128xi32> to vector<1x128xf32>
      %mul3A_406 = arith.mulf %scan3A_395, %convert_element_type3A_405 : vector<1x128xf32>
      %reduce_sum3A_407 = vector.shape_cast %mul3A_406 : vector<1x128xf32> to vector<1x1x128xf32>
      %reduce_sum3A_408 = arith.constant dense<0.000000e+00> : vector<1xf32>
      %reduce_sum3A_409 = vector.multi_reduction <add>, %reduce_sum3A_407, %reduce_sum3A_408 [1, 2] : vector<1x1x128xf32> to vector<1xf32>
      %reduce_sum3A_410 = vector.shape_cast %reduce_sum3A_409 : vector<1xf32> to vector<1x1x1xf32>
      %reduce_sum3A_411 = vector.extract %reduce_sum3A_410[0, 0, 0] : f32 from vector<1x1x1xf32>
      %sub3A_412 = arith.constant 1.000000e+00 : f32
      %sub3A_413 = arith.subf %sub3A_412, %reduce_sum3A_411 : f32
      %mul3A_414 = vector.broadcast %sub3A_413 : f32 to vector<1x128xf32>
      %mul3A_415 = arith.mulf %slice3A_401, %mul3A_414 : vector<1x128xf32>
      %max3A_416 = arith.maximumf %scan3A_395, %mul3A_415 : vector<1x128xf32>
      scf.yield %max3A_416 : vector<1x128xf32>
    }
    %scan3A_134 = arith.constant 128 : i32
    %eq3A_135 = arith.constant 0.000000e+00 : f32
    %eq3A_136 = vector.broadcast %eq3A_135 : f32 to vector<1x128xf32>
    %eq3A_137 = arith.cmpf oeq, %scan3A_133, %eq3A_136 : vector<1x128xf32>
    %convert_element_type3A_138 = arith.extui %eq3A_137 : vector<1x128xi1> to vector<1x128xi32>
    %convert_element_type3A_139 = arith.sitofp %convert_element_type3A_138 : vector<1x128xi32> to vector<1x128xf32>
    %get3A_140 = arith.constant 0 : index
    %get3A_141 = arith.constant 0 : index
    %get3A_142 = vector.load %arg4[%get3A_140, %get3A_141] : memref<1024x1024xf32, #tpu.memory_space<vmem>>, vector<128x1024xf32>
    %dot_general3A_143 = arith.constant dense<0.000000e+00> : vector<1x1024xf32>
    %dot_general3A_144 = tpu.matmul %convert_element_type3A_139, %get3A_142, %dot_general3A_143 {dimension_numbers = #tpu.dot_dimension_numbers<[1], [0], [0], [1], [0, 0, 1, 1], [], []>, transpose_lhs_hint = false} : vector<1x128xf32>, vector<128x1024xf32>, vector<1x1024xf32> -> vector<1x1024xf32>
    %slice3A_145 = vector.extract_strided_slice %broadcast_in_dim3A_128 {offsets = [0, 128], sizes = [1, 896], strides = [1, 1]} : vector<1x1024xf32> to vector<1x896xf32>
    %concatenate3A = tpu.concatenate %scan3A_133, %slice3A_145 in 1 : vector<1x128xf32>, vector<1x896xf32> -> vector<1x1024xf32>
    %add3A_146 = arith.addf %concatenate3A, %dot_general3A_144 : vector<1x1024xf32>
    %gt3A_147 = arith.constant 0.000000e+00 : f32
    %gt3A_148 = vector.broadcast %gt3A_147 : f32 to vector<1x1024xf32>
    %gt3A_149 = arith.cmpf ogt, %add3A_146, %gt3A_148 : vector<1x1024xf32>
    %convert_element_type3A_150 = arith.extui %gt3A_149 : vector<1x1024xi1> to vector<1x1024xi32>
    %convert_element_type3A_151 = arith.sitofp %convert_element_type3A_150 : vector<1x1024xi32> to vector<1x1024xf32>
    %slice3A_152 = vector.extract_strided_slice %convert_element_type3A_151 {offsets = [0, 128], sizes = [1, 128], strides = [1, 1]} : vector<1x1024xf32> to vector<1x128xf32>
    %scan3A_153 = arith.constant 0 : i32
    %scan3A_154 = arith.constant 128 : i32
    %scan3A_155 = arith.addi %scan3A_153, %scan3A_154 : i32
    %scan3A_156 = arith.constant 1 : i32
    %scan3A_157 = scf.for %scan3A_394 = %scan3A_153 to %scan3A_155 step %scan3A_156 iter_args(%scan3A_395 = %slice3A_152) -> (vector<1x128xf32>)  : i32 {
      %add3A_396 = arith.constant 128 : i32
      %add3A_397 = arith.addi %add3A_396, %scan3A_394 : i32
      %get3A_398 = arith.index_cast %add3A_397 : i32 to index
      %get3A_399 = arith.constant 0 : index
      %get3A_400 = vector.load %arg4[%get3A_398, %get3A_399] : memref<1024x1024xf32, #tpu.memory_space<vmem>>, vector<1x1024xf32>
      %slice3A_401 = vector.extract_strided_slice %get3A_400 {offsets = [0, 128], sizes = [1, 128], strides = [1, 1]} : vector<1x1024xf32> to vector<1x128xf32>
      %eq3A_402 = vector.broadcast %scan3A_394 : i32 to vector<1x128xi32>
      %eq3A_403 = arith.cmpi eq, %iota3A_126, %eq3A_402 : vector<1x128xi32>
      %convert_element_type3A_404 = arith.extui %eq3A_403 : vector<1x128xi1> to vector<1x128xi32>
      %convert_element_type3A_405 = arith.sitofp %convert_element_type3A_404 : vector<1x128xi32> to vector<1x128xf32>
      %mul3A_406 = arith.mulf %scan3A_395, %convert_element_type3A_405 : vector<1x128xf32>
      %reduce_sum3A_407 = vector.shape_cast %mul3A_406 : vector<1x128xf32> to vector<1x1x128xf32>
      %reduce_sum3A_408 = arith.constant dense<0.000000e+00> : vector<1xf32>
      %reduce_sum3A_409 = vector.multi_reduction <add>, %reduce_sum3A_407, %reduce_sum3A_408 [1, 2] : vector<1x1x128xf32> to vector<1xf32>
      %reduce_sum3A_410 = vector.shape_cast %reduce_sum3A_409 : vector<1xf32> to vector<1x1x1xf32>
      %reduce_sum3A_411 = vector.extract %reduce_sum3A_410[0, 0, 0] : f32 from vector<1x1x1xf32>
      %sub3A_412 = arith.constant 1.000000e+00 : f32
      %sub3A_413 = arith.subf %sub3A_412, %reduce_sum3A_411 : f32
      %mul3A_414 = vector.broadcast %sub3A_413 : f32 to vector<1x128xf32>
      %mul3A_415 = arith.mulf %slice3A_401, %mul3A_414 : vector<1x128xf32>
      %max3A_416 = arith.maximumf %scan3A_395, %mul3A_415 : vector<1x128xf32>
      scf.yield %max3A_416 : vector<1x128xf32>
    }
    %scan3A_158 = arith.constant 128 : i32
    %eq3A_159 = arith.constant 0.000000e+00 : f32
    %eq3A_160 = vector.broadcast %eq3A_159 : f32 to vector<1x128xf32>
    %eq3A_161 = arith.cmpf oeq, %scan3A_157, %eq3A_160 : vector<1x128xf32>
    %convert_element_type3A_162 = arith.extui %eq3A_161 : vector<1x128xi1> to vector<1x128xi32>
    %convert_element_type3A_163 = arith.sitofp %convert_element_type3A_162 : vector<1x128xi32> to vector<1x128xf32>
    %get3A_164 = arith.constant 128 : index
    %get3A_165 = arith.constant 0 : index
    %get3A_166 = vector.load %arg4[%get3A_164, %get3A_165] : memref<1024x1024xf32, #tpu.memory_space<vmem>>, vector<128x1024xf32>
    %dot_general3A_167 = arith.constant dense<0.000000e+00> : vector<1x1024xf32>
    %dot_general3A_168 = tpu.matmul %convert_element_type3A_163, %get3A_166, %dot_general3A_167 {dimension_numbers = #tpu.dot_dimension_numbers<[1], [0], [0], [1], [0, 0, 1, 1], [], []>, transpose_lhs_hint = false} : vector<1x128xf32>, vector<128x1024xf32>, vector<1x1024xf32> -> vector<1x1024xf32>
    %slice3A_169 = vector.extract_strided_slice %convert_element_type3A_151 {offsets = [0, 0], sizes = [1, 128], strides = [1, 1]} : vector<1x1024xf32> to vector<1x128xf32>
    %slice3A_170 = vector.extract_strided_slice %convert_element_type3A_151 {offsets = [0, 256], sizes = [1, 768], strides = [1, 1]} : vector<1x1024xf32> to vector<1x768xf32>
    %concatenate3A_171 = tpu.concatenate %slice3A_169, %scan3A_157, %slice3A_170 in 1 : vector<1x128xf32>, vector<1x128xf32>, vector<1x768xf32> -> vector<1x1024xf32>
    %add3A_172 = arith.addf %concatenate3A_171, %dot_general3A_168 : vector<1x1024xf32>
    %gt3A_173 = arith.constant 0.000000e+00 : f32
    %gt3A_174 = vector.broadcast %gt3A_173 : f32 to vector<1x1024xf32>
    %gt3A_175 = arith.cmpf ogt, %add3A_172, %gt3A_174 : vector<1x1024xf32>
    %convert_element_type3A_176 = arith.extui %gt3A_175 : vector<1x1024xi1> to vector<1x1024xi32>
    %convert_element_type3A_177 = arith.sitofp %convert_element_type3A_176 : vector<1x1024xi32> to vector<1x1024xf32>
    %slice3A_178 = vector.extract_strided_slice %convert_element_type3A_177 {offsets = [0, 256], sizes = [1, 128], strides = [1, 1]} : vector<1x1024xf32> to vector<1x128xf32>
    %scan3A_179 = arith.constant 0 : i32
    %scan3A_180 = arith.constant 128 : i32
    %scan3A_181 = arith.addi %scan3A_179, %scan3A_180 : i32
    %scan3A_182 = arith.constant 1 : i32
    %scan3A_183 = scf.for %scan3A_394 = %scan3A_179 to %scan3A_181 step %scan3A_182 iter_args(%scan3A_395 = %slice3A_178) -> (vector<1x128xf32>)  : i32 {
      %add3A_396 = arith.constant 256 : i32
      %add3A_397 = arith.addi %add3A_396, %scan3A_394 : i32
      %get3A_398 = arith.index_cast %add3A_397 : i32 to index
      %get3A_399 = arith.constant 0 : index
      %get3A_400 = vector.load %arg4[%get3A_398, %get3A_399] : memref<1024x1024xf32, #tpu.memory_space<vmem>>, vector<1x1024xf32>
      %slice3A_401 = vector.extract_strided_slice %get3A_400 {offsets = [0, 256], sizes = [1, 128], strides = [1, 1]} : vector<1x1024xf32> to vector<1x128xf32>
      %eq3A_402 = vector.broadcast %scan3A_394 : i32 to vector<1x128xi32>
      %eq3A_403 = arith.cmpi eq, %iota3A_126, %eq3A_402 : vector<1x128xi32>
      %convert_element_type3A_404 = arith.extui %eq3A_403 : vector<1x128xi1> to vector<1x128xi32>
      %convert_element_type3A_405 = arith.sitofp %convert_element_type3A_404 : vector<1x128xi32> to vector<1x128xf32>
      %mul3A_406 = arith.mulf %scan3A_395, %convert_element_type3A_405 : vector<1x128xf32>
      %reduce_sum3A_407 = vector.shape_cast %mul3A_406 : vector<1x128xf32> to vector<1x1x128xf32>
      %reduce_sum3A_408 = arith.constant dense<0.000000e+00> : vector<1xf32>
      %reduce_sum3A_409 = vector.multi_reduction <add>, %reduce_sum3A_407, %reduce_sum3A_408 [1, 2] : vector<1x1x128xf32> to vector<1xf32>
      %reduce_sum3A_410 = vector.shape_cast %reduce_sum3A_409 : vector<1xf32> to vector<1x1x1xf32>
      %reduce_sum3A_411 = vector.extract %reduce_sum3A_410[0, 0, 0] : f32 from vector<1x1x1xf32>
      %sub3A_412 = arith.constant 1.000000e+00 : f32
      %sub3A_413 = arith.subf %sub3A_412, %reduce_sum3A_411 : f32
      %mul3A_414 = vector.broadcast %sub3A_413 : f32 to vector<1x128xf32>
      %mul3A_415 = arith.mulf %slice3A_401, %mul3A_414 : vector<1x128xf32>
      %max3A_416 = arith.maximumf %scan3A_395, %mul3A_415 : vector<1x128xf32>
      scf.yield %max3A_416 : vector<1x128xf32>
    }
    %scan3A_184 = arith.constant 128 : i32
    %eq3A_185 = arith.constant 0.000000e+00 : f32
    %eq3A_186 = vector.broadcast %eq3A_185 : f32 to vector<1x128xf32>
    %eq3A_187 = arith.cmpf oeq, %scan3A_183, %eq3A_186 : vector<1x128xf32>
    %convert_element_type3A_188 = arith.extui %eq3A_187 : vector<1x128xi1> to vector<1x128xi32>
    %convert_element_type3A_189 = arith.sitofp %convert_element_type3A_188 : vector<1x128xi32> to vector<1x128xf32>
    %get3A_190 = arith.constant 256 : index
    %get3A_191 = arith.constant 0 : index
    %get3A_192 = vector.load %arg4[%get3A_190, %get3A_191] : memref<1024x1024xf32, #tpu.memory_space<vmem>>, vector<128x1024xf32>
    %dot_general3A_193 = arith.constant dense<0.000000e+00> : vector<1x1024xf32>
    %dot_general3A_194 = tpu.matmul %convert_element_type3A_189, %get3A_192, %dot_general3A_193 {dimension_numbers = #tpu.dot_dimension_numbers<[1], [0], [0], [1], [0, 0, 1, 1], [], []>, transpose_lhs_hint = false} : vector<1x128xf32>, vector<128x1024xf32>, vector<1x1024xf32> -> vector<1x1024xf32>
    %slice3A_195 = vector.extract_strided_slice %convert_element_type3A_177 {offsets = [0, 0], sizes = [1, 256], strides = [1, 1]} : vector<1x1024xf32> to vector<1x256xf32>
    %slice3A_196 = vector.extract_strided_slice %convert_element_type3A_177 {offsets = [0, 384], sizes = [1, 640], strides = [1, 1]} : vector<1x1024xf32> to vector<1x640xf32>
    %concatenate3A_197 = tpu.concatenate %slice3A_195, %scan3A_183, %slice3A_196 in 1 : vector<1x256xf32>, vector<1x128xf32>, vector<1x640xf32> -> vector<1x1024xf32>
    %add3A_198 = arith.addf %concatenate3A_197, %dot_general3A_194 : vector<1x1024xf32>
    %gt3A_199 = arith.constant 0.000000e+00 : f32
    %gt3A_200 = vector.broadcast %gt3A_199 : f32 to vector<1x1024xf32>
    %gt3A_201 = arith.cmpf ogt, %add3A_198, %gt3A_200 : vector<1x1024xf32>
    %convert_element_type3A_202 = arith.extui %gt3A_201 : vector<1x1024xi1> to vector<1x1024xi32>
    %convert_element_type3A_203 = arith.sitofp %convert_element_type3A_202 : vector<1x1024xi32> to vector<1x1024xf32>
    %slice3A_204 = vector.extract_strided_slice %convert_element_type3A_203 {offsets = [0, 384], sizes = [1, 128], strides = [1, 1]} : vector<1x1024xf32> to vector<1x128xf32>
    %scan3A_205 = arith.constant 0 : i32
    %scan3A_206 = arith.constant 128 : i32
    %scan3A_207 = arith.addi %scan3A_205, %scan3A_206 : i32
    %scan3A_208 = arith.constant 1 : i32
    %scan3A_209 = scf.for %scan3A_394 = %scan3A_205 to %scan3A_207 step %scan3A_208 iter_args(%scan3A_395 = %slice3A_204) -> (vector<1x128xf32>)  : i32 {
      %add3A_396 = arith.constant 384 : i32
      %add3A_397 = arith.addi %add3A_396, %scan3A_394 : i32
      %get3A_398 = arith.index_cast %add3A_397 : i32 to index
      %get3A_399 = arith.constant 0 : index
      %get3A_400 = vector.load %arg4[%get3A_398, %get3A_399] : memref<1024x1024xf32, #tpu.memory_space<vmem>>, vector<1x1024xf32>
      %slice3A_401 = vector.extract_strided_slice %get3A_400 {offsets = [0, 384], sizes = [1, 128], strides = [1, 1]} : vector<1x1024xf32> to vector<1x128xf32>
      %eq3A_402 = vector.broadcast %scan3A_394 : i32 to vector<1x128xi32>
      %eq3A_403 = arith.cmpi eq, %iota3A_126, %eq3A_402 : vector<1x128xi32>
      %convert_element_type3A_404 = arith.extui %eq3A_403 : vector<1x128xi1> to vector<1x128xi32>
      %convert_element_type3A_405 = arith.sitofp %convert_element_type3A_404 : vector<1x128xi32> to vector<1x128xf32>
      %mul3A_406 = arith.mulf %scan3A_395, %convert_element_type3A_405 : vector<1x128xf32>
      %reduce_sum3A_407 = vector.shape_cast %mul3A_406 : vector<1x128xf32> to vector<1x1x128xf32>
      %reduce_sum3A_408 = arith.constant dense<0.000000e+00> : vector<1xf32>
      %reduce_sum3A_409 = vector.multi_reduction <add>, %reduce_sum3A_407, %reduce_sum3A_408 [1, 2] : vector<1x1x128xf32> to vector<1xf32>
      %reduce_sum3A_410 = vector.shape_cast %reduce_sum3A_409 : vector<1xf32> to vector<1x1x1xf32>
      %reduce_sum3A_411 = vector.extract %reduce_sum3A_410[0, 0, 0] : f32 from vector<1x1x1xf32>
      %sub3A_412 = arith.constant 1.000000e+00 : f32
      %sub3A_413 = arith.subf %sub3A_412, %reduce_sum3A_411 : f32
      %mul3A_414 = vector.broadcast %sub3A_413 : f32 to vector<1x128xf32>
      %mul3A_415 = arith.mulf %slice3A_401, %mul3A_414 : vector<1x128xf32>
      %max3A_416 = arith.maximumf %scan3A_395, %mul3A_415 : vector<1x128xf32>
      scf.yield %max3A_416 : vector<1x128xf32>
    }
    %scan3A_210 = arith.constant 128 : i32
    %eq3A_211 = arith.constant 0.000000e+00 : f32
    %eq3A_212 = vector.broadcast %eq3A_211 : f32 to vector<1x128xf32>
    %eq3A_213 = arith.cmpf oeq, %scan3A_209, %eq3A_212 : vector<1x128xf32>
    %convert_element_type3A_214 = arith.extui %eq3A_213 : vector<1x128xi1> to vector<1x128xi32>
    %convert_element_type3A_215 = arith.sitofp %convert_element_type3A_214 : vector<1x128xi32> to vector<1x128xf32>
    %get3A_216 = arith.constant 384 : index
    %get3A_217 = arith.constant 0 : index
    %get3A_218 = vector.load %arg4[%get3A_216, %get3A_217] : memref<1024x1024xf32, #tpu.memory_space<vmem>>, vector<128x1024xf32>
    %dot_general3A_219 = arith.constant dense<0.000000e+00> : vector<1x1024xf32>
    %dot_general3A_220 = tpu.matmul %convert_element_type3A_215, %get3A_218, %dot_general3A_219 {dimension_numbers = #tpu.dot_dimension_numbers<[1], [0], [0], [1], [0, 0, 1, 1], [], []>, transpose_lhs_hint = false} : vector<1x128xf32>, vector<128x1024xf32>, vector<1x1024xf32> -> vector<1x1024xf32>
    %slice3A_221 = vector.extract_strided_slice %convert_element_type3A_203 {offsets = [0, 0], sizes = [1, 384], strides = [1, 1]} : vector<1x1024xf32> to vector<1x384xf32>
    %slice3A_222 = vector.extract_strided_slice %convert_element_type3A_203 {offsets = [0, 512], sizes = [1, 512], strides = [1, 1]} : vector<1x1024xf32> to vector<1x512xf32>
    %concatenate3A_223 = tpu.concatenate %slice3A_221, %scan3A_209, %slice3A_222 in 1 : vector<1x384xf32>, vector<1x128xf32>, vector<1x512xf32> -> vector<1x1024xf32>
    %add3A_224 = arith.addf %concatenate3A_223, %dot_general3A_220 : vector<1x1024xf32>
    %gt3A_225 = arith.constant 0.000000e+00 : f32
    %gt3A_226 = vector.broadcast %gt3A_225 : f32 to vector<1x1024xf32>
    %gt3A_227 = arith.cmpf ogt, %add3A_224, %gt3A_226 : vector<1x1024xf32>
    %convert_element_type3A_228 = arith.extui %gt3A_227 : vector<1x1024xi1> to vector<1x1024xi32>
    %convert_element_type3A_229 = arith.sitofp %convert_element_type3A_228 : vector<1x1024xi32> to vector<1x1024xf32>
    %slice3A_230 = vector.extract_strided_slice %convert_element_type3A_229 {offsets = [0, 512], sizes = [1, 128], strides = [1, 1]} : vector<1x1024xf32> to vector<1x128xf32>
    %scan3A_231 = arith.constant 0 : i32
    %scan3A_232 = arith.constant 128 : i32
    %scan3A_233 = arith.addi %scan3A_231, %scan3A_232 : i32
    %scan3A_234 = arith.constant 1 : i32
    %scan3A_235 = scf.for %scan3A_394 = %scan3A_231 to %scan3A_233 step %scan3A_234 iter_args(%scan3A_395 = %slice3A_230) -> (vector<1x128xf32>)  : i32 {
      %add3A_396 = arith.constant 512 : i32
      %add3A_397 = arith.addi %add3A_396, %scan3A_394 : i32
      %get3A_398 = arith.index_cast %add3A_397 : i32 to index
      %get3A_399 = arith.constant 0 : index
      %get3A_400 = vector.load %arg4[%get3A_398, %get3A_399] : memref<1024x1024xf32, #tpu.memory_space<vmem>>, vector<1x1024xf32>
      %slice3A_401 = vector.extract_strided_slice %get3A_400 {offsets = [0, 512], sizes = [1, 128], strides = [1, 1]} : vector<1x1024xf32> to vector<1x128xf32>
      %eq3A_402 = vector.broadcast %scan3A_394 : i32 to vector<1x128xi32>
      %eq3A_403 = arith.cmpi eq, %iota3A_126, %eq3A_402 : vector<1x128xi32>
      %convert_element_type3A_404 = arith.extui %eq3A_403 : vector<1x128xi1> to vector<1x128xi32>
      %convert_element_type3A_405 = arith.sitofp %convert_element_type3A_404 : vector<1x128xi32> to vector<1x128xf32>
      %mul3A_406 = arith.mulf %scan3A_395, %convert_element_type3A_405 : vector<1x128xf32>
      %reduce_sum3A_407 = vector.shape_cast %mul3A_406 : vector<1x128xf32> to vector<1x1x128xf32>
      %reduce_sum3A_408 = arith.constant dense<0.000000e+00> : vector<1xf32>
      %reduce_sum3A_409 = vector.multi_reduction <add>, %reduce_sum3A_407, %reduce_sum3A_408 [1, 2] : vector<1x1x128xf32> to vector<1xf32>
      %reduce_sum3A_410 = vector.shape_cast %reduce_sum3A_409 : vector<1xf32> to vector<1x1x1xf32>
      %reduce_sum3A_411 = vector.extract %reduce_sum3A_410[0, 0, 0] : f32 from vector<1x1x1xf32>
      %sub3A_412 = arith.constant 1.000000e+00 : f32
      %sub3A_413 = arith.subf %sub3A_412, %reduce_sum3A_411 : f32
      %mul3A_414 = vector.broadcast %sub3A_413 : f32 to vector<1x128xf32>
      %mul3A_415 = arith.mulf %slice3A_401, %mul3A_414 : vector<1x128xf32>
      %max3A_416 = arith.maximumf %scan3A_395, %mul3A_415 : vector<1x128xf32>
      scf.yield %max3A_416 : vector<1x128xf32>
    }
    %scan3A_236 = arith.constant 128 : i32
    %eq3A_237 = arith.constant 0.000000e+00 : f32
    %eq3A_238 = vector.broadcast %eq3A_237 : f32 to vector<1x128xf32>
    %eq3A_239 = arith.cmpf oeq, %scan3A_235, %eq3A_238 : vector<1x128xf32>
    %convert_element_type3A_240 = arith.extui %eq3A_239 : vector<1x128xi1> to vector<1x128xi32>
    %convert_element_type3A_241 = arith.sitofp %convert_element_type3A_240 : vector<1x128xi32> to vector<1x128xf32>
    %get3A_242 = arith.constant 512 : index
    %get3A_243 = arith.constant 0 : index
    %get3A_244 = vector.load %arg4[%get3A_242, %get3A_243] : memref<1024x1024xf32, #tpu.memory_space<vmem>>, vector<128x1024xf32>
    %dot_general3A_245 = arith.constant dense<0.000000e+00> : vector<1x1024xf32>
    %dot_general3A_246 = tpu.matmul %convert_element_type3A_241, %get3A_244, %dot_general3A_245 {dimension_numbers = #tpu.dot_dimension_numbers<[1], [0], [0], [1], [0, 0, 1, 1], [], []>, transpose_lhs_hint = false} : vector<1x128xf32>, vector<128x1024xf32>, vector<1x1024xf32> -> vector<1x1024xf32>
    %slice3A_247 = vector.extract_strided_slice %convert_element_type3A_229 {offsets = [0, 0], sizes = [1, 512], strides = [1, 1]} : vector<1x1024xf32> to vector<1x512xf32>
    %slice3A_248 = vector.extract_strided_slice %convert_element_type3A_229 {offsets = [0, 640], sizes = [1, 384], strides = [1, 1]} : vector<1x1024xf32> to vector<1x384xf32>
    %concatenate3A_249 = tpu.concatenate %slice3A_247, %scan3A_235, %slice3A_248 in 1 : vector<1x512xf32>, vector<1x128xf32>, vector<1x384xf32> -> vector<1x1024xf32>
    %add3A_250 = arith.addf %concatenate3A_249, %dot_general3A_246 : vector<1x1024xf32>
    %gt3A_251 = arith.constant 0.000000e+00 : f32
    %gt3A_252 = vector.broadcast %gt3A_251 : f32 to vector<1x1024xf32>
    %gt3A_253 = arith.cmpf ogt, %add3A_250, %gt3A_252 : vector<1x1024xf32>
    %convert_element_type3A_254 = arith.extui %gt3A_253 : vector<1x1024xi1> to vector<1x1024xi32>
    %convert_element_type3A_255 = arith.sitofp %convert_element_type3A_254 : vector<1x1024xi32> to vector<1x1024xf32>
    %slice3A_256 = vector.extract_strided_slice %convert_element_type3A_255 {offsets = [0, 640], sizes = [1, 128], strides = [1, 1]} : vector<1x1024xf32> to vector<1x128xf32>
    %scan3A_257 = arith.constant 0 : i32
    %scan3A_258 = arith.constant 128 : i32
    %scan3A_259 = arith.addi %scan3A_257, %scan3A_258 : i32
    %scan3A_260 = arith.constant 1 : i32
    %scan3A_261 = scf.for %scan3A_394 = %scan3A_257 to %scan3A_259 step %scan3A_260 iter_args(%scan3A_395 = %slice3A_256) -> (vector<1x128xf32>)  : i32 {
      %add3A_396 = arith.constant 640 : i32
      %add3A_397 = arith.addi %add3A_396, %scan3A_394 : i32
      %get3A_398 = arith.index_cast %add3A_397 : i32 to index
      %get3A_399 = arith.constant 0 : index
      %get3A_400 = vector.load %arg4[%get3A_398, %get3A_399] : memref<1024x1024xf32, #tpu.memory_space<vmem>>, vector<1x1024xf32>
      %slice3A_401 = vector.extract_strided_slice %get3A_400 {offsets = [0, 640], sizes = [1, 128], strides = [1, 1]} : vector<1x1024xf32> to vector<1x128xf32>
      %eq3A_402 = vector.broadcast %scan3A_394 : i32 to vector<1x128xi32>
      %eq3A_403 = arith.cmpi eq, %iota3A_126, %eq3A_402 : vector<1x128xi32>
      %convert_element_type3A_404 = arith.extui %eq3A_403 : vector<1x128xi1> to vector<1x128xi32>
      %convert_element_type3A_405 = arith.sitofp %convert_element_type3A_404 : vector<1x128xi32> to vector<1x128xf32>
      %mul3A_406 = arith.mulf %scan3A_395, %convert_element_type3A_405 : vector<1x128xf32>
      %reduce_sum3A_407 = vector.shape_cast %mul3A_406 : vector<1x128xf32> to vector<1x1x128xf32>
      %reduce_sum3A_408 = arith.constant dense<0.000000e+00> : vector<1xf32>
      %reduce_sum3A_409 = vector.multi_reduction <add>, %reduce_sum3A_407, %reduce_sum3A_408 [1, 2] : vector<1x1x128xf32> to vector<1xf32>
      %reduce_sum3A_410 = vector.shape_cast %reduce_sum3A_409 : vector<1xf32> to vector<1x1x1xf32>
      %reduce_sum3A_411 = vector.extract %reduce_sum3A_410[0, 0, 0] : f32 from vector<1x1x1xf32>
      %sub3A_412 = arith.constant 1.000000e+00 : f32
      %sub3A_413 = arith.subf %sub3A_412, %reduce_sum3A_411 : f32
      %mul3A_414 = vector.broadcast %sub3A_413 : f32 to vector<1x128xf32>
      %mul3A_415 = arith.mulf %slice3A_401, %mul3A_414 : vector<1x128xf32>
      %max3A_416 = arith.maximumf %scan3A_395, %mul3A_415 : vector<1x128xf32>
      scf.yield %max3A_416 : vector<1x128xf32>
    }
    %scan3A_262 = arith.constant 128 : i32
    %eq3A_263 = arith.constant 0.000000e+00 : f32
    %eq3A_264 = vector.broadcast %eq3A_263 : f32 to vector<1x128xf32>
    %eq3A_265 = arith.cmpf oeq, %scan3A_261, %eq3A_264 : vector<1x128xf32>
    %convert_element_type3A_266 = arith.extui %eq3A_265 : vector<1x128xi1> to vector<1x128xi32>
    %convert_element_type3A_267 = arith.sitofp %convert_element_type3A_266 : vector<1x128xi32> to vector<1x128xf32>
    %get3A_268 = arith.constant 640 : index
    %get3A_269 = arith.constant 0 : index
    %get3A_270 = vector.load %arg4[%get3A_268, %get3A_269] : memref<1024x1024xf32, #tpu.memory_space<vmem>>, vector<128x1024xf32>
    %dot_general3A_271 = arith.constant dense<0.000000e+00> : vector<1x1024xf32>
    %dot_general3A_272 = tpu.matmul %convert_element_type3A_267, %get3A_270, %dot_general3A_271 {dimension_numbers = #tpu.dot_dimension_numbers<[1], [0], [0], [1], [0, 0, 1, 1], [], []>, transpose_lhs_hint = false} : vector<1x128xf32>, vector<128x1024xf32>, vector<1x1024xf32> -> vector<1x1024xf32>
    %slice3A_273 = vector.extract_strided_slice %convert_element_type3A_255 {offsets = [0, 0], sizes = [1, 640], strides = [1, 1]} : vector<1x1024xf32> to vector<1x640xf32>
    %slice3A_274 = vector.extract_strided_slice %convert_element_type3A_255 {offsets = [0, 768], sizes = [1, 256], strides = [1, 1]} : vector<1x1024xf32> to vector<1x256xf32>
    %concatenate3A_275 = tpu.concatenate %slice3A_273, %scan3A_261, %slice3A_274 in 1 : vector<1x640xf32>, vector<1x128xf32>, vector<1x256xf32> -> vector<1x1024xf32>
    %add3A_276 = arith.addf %concatenate3A_275, %dot_general3A_272 : vector<1x1024xf32>
    %gt3A_277 = arith.constant 0.000000e+00 : f32
    %gt3A_278 = vector.broadcast %gt3A_277 : f32 to vector<1x1024xf32>
    %gt3A_279 = arith.cmpf ogt, %add3A_276, %gt3A_278 : vector<1x1024xf32>
    %convert_element_type3A_280 = arith.extui %gt3A_279 : vector<1x1024xi1> to vector<1x1024xi32>
    %convert_element_type3A_281 = arith.sitofp %convert_element_type3A_280 : vector<1x1024xi32> to vector<1x1024xf32>
    %slice3A_282 = vector.extract_strided_slice %convert_element_type3A_281 {offsets = [0, 768], sizes = [1, 128], strides = [1, 1]} : vector<1x1024xf32> to vector<1x128xf32>
    %scan3A_283 = arith.constant 0 : i32
    %scan3A_284 = arith.constant 128 : i32
    %scan3A_285 = arith.addi %scan3A_283, %scan3A_284 : i32
    %scan3A_286 = arith.constant 1 : i32
    %scan3A_287 = scf.for %scan3A_394 = %scan3A_283 to %scan3A_285 step %scan3A_286 iter_args(%scan3A_395 = %slice3A_282) -> (vector<1x128xf32>)  : i32 {
      %add3A_396 = arith.constant 768 : i32
      %add3A_397 = arith.addi %add3A_396, %scan3A_394 : i32
      %get3A_398 = arith.index_cast %add3A_397 : i32 to index
      %get3A_399 = arith.constant 0 : index
      %get3A_400 = vector.load %arg4[%get3A_398, %get3A_399] : memref<1024x1024xf32, #tpu.memory_space<vmem>>, vector<1x1024xf32>
      %slice3A_401 = vector.extract_strided_slice %get3A_400 {offsets = [0, 768], sizes = [1, 128], strides = [1, 1]} : vector<1x1024xf32> to vector<1x128xf32>
      %eq3A_402 = vector.broadcast %scan3A_394 : i32 to vector<1x128xi32>
      %eq3A_403 = arith.cmpi eq, %iota3A_126, %eq3A_402 : vector<1x128xi32>
      %convert_element_type3A_404 = arith.extui %eq3A_403 : vector<1x128xi1> to vector<1x128xi32>
      %convert_element_type3A_405 = arith.sitofp %convert_element_type3A_404 : vector<1x128xi32> to vector<1x128xf32>
      %mul3A_406 = arith.mulf %scan3A_395, %convert_element_type3A_405 : vector<1x128xf32>
      %reduce_sum3A_407 = vector.shape_cast %mul3A_406 : vector<1x128xf32> to vector<1x1x128xf32>
      %reduce_sum3A_408 = arith.constant dense<0.000000e+00> : vector<1xf32>
      %reduce_sum3A_409 = vector.multi_reduction <add>, %reduce_sum3A_407, %reduce_sum3A_408 [1, 2] : vector<1x1x128xf32> to vector<1xf32>
      %reduce_sum3A_410 = vector.shape_cast %reduce_sum3A_409 : vector<1xf32> to vector<1x1x1xf32>
      %reduce_sum3A_411 = vector.extract %reduce_sum3A_410[0, 0, 0] : f32 from vector<1x1x1xf32>
      %sub3A_412 = arith.constant 1.000000e+00 : f32
      %sub3A_413 = arith.subf %sub3A_412, %reduce_sum3A_411 : f32
      %mul3A_414 = vector.broadcast %sub3A_413 : f32 to vector<1x128xf32>
      %mul3A_415 = arith.mulf %slice3A_401, %mul3A_414 : vector<1x128xf32>
      %max3A_416 = arith.maximumf %scan3A_395, %mul3A_415 : vector<1x128xf32>
      scf.yield %max3A_416 : vector<1x128xf32>
    }
    %scan3A_288 = arith.constant 128 : i32
    %eq3A_289 = arith.constant 0.000000e+00 : f32
    %eq3A_290 = vector.broadcast %eq3A_289 : f32 to vector<1x128xf32>
    %eq3A_291 = arith.cmpf oeq, %scan3A_287, %eq3A_290 : vector<1x128xf32>
    %convert_element_type3A_292 = arith.extui %eq3A_291 : vector<1x128xi1> to vector<1x128xi32>
    %convert_element_type3A_293 = arith.sitofp %convert_element_type3A_292 : vector<1x128xi32> to vector<1x128xf32>
    %get3A_294 = arith.constant 768 : index
    %get3A_295 = arith.constant 0 : index
    %get3A_296 = vector.load %arg4[%get3A_294, %get3A_295] : memref<1024x1024xf32, #tpu.memory_space<vmem>>, vector<128x1024xf32>
    %dot_general3A_297 = arith.constant dense<0.000000e+00> : vector<1x1024xf32>
    %dot_general3A_298 = tpu.matmul %convert_element_type3A_293, %get3A_296, %dot_general3A_297 {dimension_numbers = #tpu.dot_dimension_numbers<[1], [0], [0], [1], [0, 0, 1, 1], [], []>, transpose_lhs_hint = false} : vector<1x128xf32>, vector<128x1024xf32>, vector<1x1024xf32> -> vector<1x1024xf32>
    %slice3A_299 = vector.extract_strided_slice %convert_element_type3A_281 {offsets = [0, 0], sizes = [1, 768], strides = [1, 1]} : vector<1x1024xf32> to vector<1x768xf32>
    %slice3A_300 = vector.extract_strided_slice %convert_element_type3A_281 {offsets = [0, 896], sizes = [1, 128], strides = [1, 1]} : vector<1x1024xf32> to vector<1x128xf32>
    %concatenate3A_301 = tpu.concatenate %slice3A_299, %scan3A_287, %slice3A_300 in 1 : vector<1x768xf32>, vector<1x128xf32>, vector<1x128xf32> -> vector<1x1024xf32>
    %add3A_302 = arith.addf %concatenate3A_301, %dot_general3A_298 : vector<1x1024xf32>
    %gt3A_303 = arith.constant 0.000000e+00 : f32
    %gt3A_304 = vector.broadcast %gt3A_303 : f32 to vector<1x1024xf32>
    %gt3A_305 = arith.cmpf ogt, %add3A_302, %gt3A_304 : vector<1x1024xf32>
    %convert_element_type3A_306 = arith.extui %gt3A_305 : vector<1x1024xi1> to vector<1x1024xi32>
    %convert_element_type3A_307 = arith.sitofp %convert_element_type3A_306 : vector<1x1024xi32> to vector<1x1024xf32>
    %slice3A_308 = vector.extract_strided_slice %convert_element_type3A_307 {offsets = [0, 896], sizes = [1, 128], strides = [1, 1]} : vector<1x1024xf32> to vector<1x128xf32>
    %scan3A_309 = arith.constant 0 : i32
    %scan3A_310 = arith.constant 128 : i32
    %scan3A_311 = arith.addi %scan3A_309, %scan3A_310 : i32
    %scan3A_312 = arith.constant 1 : i32
    %scan3A_313 = scf.for %scan3A_394 = %scan3A_309 to %scan3A_311 step %scan3A_312 iter_args(%scan3A_395 = %slice3A_308) -> (vector<1x128xf32>)  : i32 {
      %add3A_396 = arith.constant 896 : i32
      %add3A_397 = arith.addi %add3A_396, %scan3A_394 : i32
      %get3A_398 = arith.index_cast %add3A_397 : i32 to index
      %get3A_399 = arith.constant 0 : index
      %get3A_400 = vector.load %arg4[%get3A_398, %get3A_399] : memref<1024x1024xf32, #tpu.memory_space<vmem>>, vector<1x1024xf32>
      %slice3A_401 = vector.extract_strided_slice %get3A_400 {offsets = [0, 896], sizes = [1, 128], strides = [1, 1]} : vector<1x1024xf32> to vector<1x128xf32>
      %eq3A_402 = vector.broadcast %scan3A_394 : i32 to vector<1x128xi32>
      %eq3A_403 = arith.cmpi eq, %iota3A_126, %eq3A_402 : vector<1x128xi32>
      %convert_element_type3A_404 = arith.extui %eq3A_403 : vector<1x128xi1> to vector<1x128xi32>
      %convert_element_type3A_405 = arith.sitofp %convert_element_type3A_404 : vector<1x128xi32> to vector<1x128xf32>
      %mul3A_406 = arith.mulf %scan3A_395, %convert_element_type3A_405 : vector<1x128xf32>
      %reduce_sum3A_407 = vector.shape_cast %mul3A_406 : vector<1x128xf32> to vector<1x1x128xf32>
      %reduce_sum3A_408 = arith.constant dense<0.000000e+00> : vector<1xf32>
      %reduce_sum3A_409 = vector.multi_reduction <add>, %reduce_sum3A_407, %reduce_sum3A_408 [1, 2] : vector<1x1x128xf32> to vector<1xf32>
      %reduce_sum3A_410 = vector.shape_cast %reduce_sum3A_409 : vector<1xf32> to vector<1x1x1xf32>
      %reduce_sum3A_411 = vector.extract %reduce_sum3A_410[0, 0, 0] : f32 from vector<1x1x1xf32>
      %sub3A_412 = arith.constant 1.000000e+00 : f32
      %sub3A_413 = arith.subf %sub3A_412, %reduce_sum3A_411 : f32
      %mul3A_414 = vector.broadcast %sub3A_413 : f32 to vector<1x128xf32>
      %mul3A_415 = arith.mulf %slice3A_401, %mul3A_414 : vector<1x128xf32>
      %max3A_416 = arith.maximumf %scan3A_395, %mul3A_415 : vector<1x128xf32>
      scf.yield %max3A_416 : vector<1x128xf32>
    }
    %scan3A_314 = arith.constant 128 : i32
    %eq3A_315 = arith.constant 0.000000e+00 : f32
    %eq3A_316 = vector.broadcast %eq3A_315 : f32 to vector<1x128xf32>
    %eq3A_317 = arith.cmpf oeq, %scan3A_313, %eq3A_316 : vector<1x128xf32>
    %convert_element_type3A_318 = arith.extui %eq3A_317 : vector<1x128xi1> to vector<1x128xi32>
    %convert_element_type3A_319 = arith.sitofp %convert_element_type3A_318 : vector<1x128xi32> to vector<1x128xf32>
    %get3A_320 = arith.constant 896 : index
    %get3A_321 = arith.constant 0 : index
    %get3A_322 = vector.load %arg4[%get3A_320, %get3A_321] : memref<1024x1024xf32, #tpu.memory_space<vmem>>, vector<128x1024xf32>
    %dot_general3A_323 = arith.constant dense<0.000000e+00> : vector<1x1024xf32>
    %dot_general3A_324 = tpu.matmul %convert_element_type3A_319, %get3A_322, %dot_general3A_323 {dimension_numbers = #tpu.dot_dimension_numbers<[1], [0], [0], [1], [0, 0, 1, 1], [], []>, transpose_lhs_hint = false} : vector<1x128xf32>, vector<128x1024xf32>, vector<1x1024xf32> -> vector<1x1024xf32>
    %slice3A_325 = vector.extract_strided_slice %convert_element_type3A_307 {offsets = [0, 0], sizes = [1, 896], strides = [1, 1]} : vector<1x1024xf32> to vector<1x896xf32>
    %concatenate3A_326 = tpu.concatenate %slice3A_325, %scan3A_313 in 1 : vector<1x896xf32>, vector<1x128xf32> -> vector<1x1024xf32>
    %add3A_327 = arith.addf %concatenate3A_326, %dot_general3A_324 : vector<1x1024xf32>
    %gt3A_328 = arith.constant 0.000000e+00 : f32
    %gt3A_329 = vector.broadcast %gt3A_328 : f32 to vector<1x1024xf32>
    %gt3A_330 = arith.cmpf ogt, %add3A_327, %gt3A_329 : vector<1x1024xf32>
    %convert_element_type3A_331 = arith.extui %gt3A_330 : vector<1x1024xi1> to vector<1x1024xi32>
    %convert_element_type3A_332 = arith.sitofp %convert_element_type3A_331 : vector<1x1024xi32> to vector<1x1024xf32>
    %iota3A_333 = tpu.iota {dimensions = array<i32: 1>} : vector<1x1024xi32>
    %slice3A_334 = vector.extract_strided_slice %dot_general3A_59 {offsets = [4, 0], sizes = [1, 1024], strides = [1, 1]} : vector<8x1024xf32> to vector<1x1024xf32>
    %lt3A_335 = arith.constant 1000 : i32
    %lt3A_336 = vector.broadcast %lt3A_335 : i32 to vector<1x1024xi32>
    %lt3A_337 = arith.cmpi slt, %iota3A_333, %lt3A_336 : vector<1x1024xi32>
    %eq3A_338 = arith.constant 0.000000e+00 : f32
    %eq3A_339 = vector.broadcast %eq3A_338 : f32 to vector<1x1024xf32>
    %eq3A_340 = arith.cmpf oeq, %convert_element_type3A_332, %eq3A_339 : vector<1x1024xf32>
    %gt3A_341 = arith.constant 2.500000e-01 : f32
    %gt3A_342 = vector.broadcast %gt3A_341 : f32 to vector<1x1024xf32>
    %gt3A_343 = arith.cmpf ogt, %slice3A_334, %gt3A_342 : vector<1x1024xf32>
    %and3A_344 = arith.andi %eq3A_340, %gt3A_343 : vector<1x1024xi1>
    %and3A_345 = arith.andi %and3A_344, %lt3A_337 : vector<1x1024xi1>
    %convert_element_type3A_346 = arith.extui %and3A_345 : vector<1x1024xi1> to vector<1x1024xi32>
    %convert_element_type3A_347 = arith.sitofp %convert_element_type3A_346 : vector<1x1024xi32> to vector<1x1024xf32>
    %sub3A_348 = arith.constant 1.000000e+00 : f32
    %sub3A_349 = vector.broadcast %sub3A_348 : f32 to vector<1x1024xf32>
    %sub3A_350 = arith.subf %sub3A_349, %convert_element_type3A_347 : vector<1x1024xf32>
    %jit3A_351 = arith.constant 0.000000e+00 : f32
    %broadcast_in_dim3A_352 = vector.broadcast %jit3A_351 : f32 to vector<1x1024xf32>
    %select_n3A = arith.select %lt3A_337, %sub3A_350, %broadcast_in_dim3A_352 : vector<1x1024xi1>, vector<1x1024xf32>
    %lt3A_353 = arith.cmpi slt, %iota3A, %iota3A_0 : vector<1024x1024xi32>
    %convert_element_type3A_354 = arith.extui %lt3A_353 : vector<1024x1024xi1> to vector<1024x1024xi32>
    %convert_element_type3A_355 = arith.sitofp %convert_element_type3A_354 : vector<1024x1024xi32> to vector<1024x1024xf32>
    %dot_general3A_356 = arith.constant dense<0.000000e+00> : vector<1x1024xf32>
    %dot_general3A_357 = tpu.matmul %convert_element_type3A_347, %convert_element_type3A_355, %dot_general3A_356 {dimension_numbers = #tpu.dot_dimension_numbers<[1], [0], [0], [1], [0, 0, 1, 1], [], []>, transpose_lhs_hint = false} : vector<1x1024xf32>, vector<1024x1024xf32>, vector<1x1024xf32> -> vector<1x1024xf32>
    %dot_general3A_358 = arith.constant dense<0.000000e+00> : vector<1x1024xf32>
    %dot_general3A_359 = tpu.matmul %select_n3A, %convert_element_type3A_355, %dot_general3A_358 {dimension_numbers = #tpu.dot_dimension_numbers<[1], [0], [0], [1], [0, 0, 1, 1], [], []>, transpose_lhs_hint = false} : vector<1x1024xf32>, vector<1024x1024xf32>, vector<1x1024xf32> -> vector<1x1024xf32>
    %reduce_sum3A = vector.shape_cast %convert_element_type3A_347 : vector<1x1024xf32> to vector<1x1x1024xf32>
    %reduce_sum3A_360 = arith.constant dense<0.000000e+00> : vector<1xf32>
    %reduce_sum3A_361 = vector.multi_reduction <add>, %reduce_sum3A, %reduce_sum3A_360 [1, 2] : vector<1x1x1024xf32> to vector<1xf32>
    %reduce_sum3A_362 = vector.shape_cast %reduce_sum3A_361 : vector<1xf32> to vector<1x1x1xf32>
    %reduce_sum3A_363 = vector.extract %reduce_sum3A_362[0, 0, 0] : f32 from vector<1x1x1xf32>
    %add3A_364 = vector.broadcast %reduce_sum3A_363 : f32 to vector<1x1024xf32>
    %add3A_365 = arith.addf %add3A_364, %dot_general3A_359 : vector<1x1024xf32>
    %select_n3A_366 = arith.select %and3A_345, %dot_general3A_357, %add3A_365 : vector<1x1024xi1>, vector<1x1024xf32>
    %iota3A_367 = tpu.iota {dimensions = array<i32: 0>} : vector<128x1024xi32>
    %convert_element_type3A_368 = arith.sitofp %iota3A_367 : vector<128x1024xi32> to vector<128x1024xf32>
    %eq3A_369 = vector.broadcast %select_n3A_366 : vector<1x1024xf32> to vector<128x1024xf32>
    %eq3A_370 = arith.cmpf oeq, %convert_element_type3A_368, %eq3A_369 : vector<128x1024xf32>
    %and3A_371 = vector.broadcast %lt3A_337 : vector<1x1024xi1> to vector<128x1024xi1>
    %and3A_372 = arith.andi %eq3A_370, %and3A_371 : vector<128x1024xi1>
    %convert_element_type3A_373 = arith.extui %and3A_372 : vector<128x1024xi1> to vector<128x1024xi32>
    %convert_element_type3A_374 = arith.sitofp %convert_element_type3A_373 : vector<128x1024xi32> to vector<128x1024xf32>
    %get3A_375 = arith.constant 0 : index
    %get3A_376 = arith.constant 0 : index
    %get3A_377 = vector.load %arg3[%get3A_375, %get3A_376] : memref<1024x16xf32, #tpu.memory_space<vmem>>, vector<1024x16xf32>
    %dot_general3A_378 = arith.constant dense<0.000000e+00> : vector<128x16xf32>
    %dot_general3A_379 = tpu.matmul %convert_element_type3A_374, %get3A_377, %dot_general3A_378 {dimension_numbers = #tpu.dot_dimension_numbers<[1], [0], [0], [1], [0, 0, 1, 1], [], []>, precision = #tpu.contract_precision<fp32>, transpose_lhs_hint = false} : vector<128x1024xf32>, vector<1024x16xf32>, vector<128x16xf32> -> vector<128x16xf32>
    %iota3A_380 = tpu.iota {dimensions = array<i32: 0>} : vector<128x1xi32>
    %convert_element_type3A_381 = arith.sitofp %iota3A_380 : vector<128x1xi32> to vector<128x1xf32>
    %lt3A_382 = vector.broadcast %reduce_sum3A_363 : f32 to vector<128x1xf32>
    %lt3A_383 = arith.cmpf olt, %convert_element_type3A_381, %lt3A_382 : vector<128x1xf32>
    %swap3A_384 = arith.constant 0 : index
    %swap3A_385 = arith.constant 0 : index
    %swap3A_386 = vector.load %arg2[%swap3A_384, %swap3A_385] : memref<128x16xf32, #tpu.memory_space<vmem>>, vector<128x16xf32>
    tpu.vector_store %arg2[%swap3A_384, %swap3A_385], %dot_general3A_379 {strides = array<i32>} : memref<128x16xf32, #tpu.memory_space<vmem>>, vector<128x16xf32>,
    %slice3A_387 = vector.extract_strided_slice %dot_general3A_379 {offsets = [0, 4], sizes = [128, 1], strides = [1, 1]} : vector<128x16xf32> to vector<128x1xf32>
    %jit3A_388 = arith.constant -1.000000e+00 : f32
    %broadcast_in_dim3A_389 = vector.broadcast %jit3A_388 : f32 to vector<128x1xf32>
    %select_n3A_390 = arith.select %lt3A_383, %slice3A_387, %broadcast_in_dim3A_389 : vector<128x1xi1>, vector<128x1xf32>
    %swap3A_391 = arith.constant 0 : index
    %swap3A_392 = arith.constant 4 : index
    %swap3A_393 = vector.load %arg2[%swap3A_391, %swap3A_392] : memref<128x16xf32, #tpu.memory_space<vmem>>, vector<128x1xf32>
    tpu.vector_store %arg2[%swap3A_391, %swap3A_392], %select_n3A_390 {strides = array<i32>} : memref<128x16xf32, #tpu.memory_space<vmem>>, vector<128x1xf32>,
    return
  }
}

</mosaic_0001>

<sc_bundles>
// kernel: kernel.6.cloned.1.call-start
scs
__scs_entry_jumppad:
0x0: {  	(pc) =	sbr.rel $0x88, $3  }
0x1: {  	(tag) =	ssettag $0x0;
	lr =	simm.s32 $0x1  }
0x2: {  	[smem:$0x3F9D] =	sst lr;
	_ =	strace $0xD0000000  }
0x3: {  	_ = 	snop  }
0x4: {  	_ = 	snop  }
0x5: {  	_ = 	snop  }
0x6: {  	_ = 	snop  }
0x7: {  	_ = 	snop  }
__scs_overlays_trampoline_lowered:
0x8: {  	[smem:$0x3FAC] =	sst s0  }
0x9: {  	[smem:$0x3FAD] =	sst s1  }
0xa: {  	[smem:$0x3FAE] =	sst s2  }
0xb: {  	[smem:$0x3FAF] =	sst s3  }
0xc: {  	[smem:$0x3FB0] =	sst s4  }
0xd: {  	[smem:$0x3FB1] =	sst s5  }
0xe: {  	[smem:$0x3FB2] =	sst s6  }
0xf: {  	[smem:$0x3FB3] =	sst s7  }
0x10: {  	[smem:$0x3FB4] =	sst s8  }
0x11: {  	[smem:$0x3FB5] =	sst s9;
	s0 =	simm.s32 @!p0 $0x0  }
0x12: {  	s1 =	sld [smem:$0x3F9B];
	s0 =	simm.s32 @p0 $0x1  }
0x13: {  	[smem:$0x3FB6] =	sst s0;
	s0 =	simm.s32 @!p1 $0x0  }
0x14: {  	s2 =	sld [smem:$0x3F9A];
	s0 =	simm.s32 @p1 $0x1  }
0x15: {  	[smem:$0x3FB7] =	sst s0;
	s0 =	simm.s32 @!p2 $0x0  }
0x16: {  	s3 =	sld [smem:$0x3FDB];
	s0 =	simm.s32 @p2 $0x1  }
0x17: {  	s4 =	simm.s32 $0x1BF5;
	[smem:$0x3FB9] =	sst s0  }
0x18: {  	s0 =	sld [smem:$0x3F9C];
	_ =	swait.ge [sflag:s4], $0x0  }
0x19: {  	s7 =	sld [smem:$0x3F9D]  }
0x1a: {  	s8 =	sadd.s32 $0xFFFFE003, lr  }
0x1b: {  	s9 =	sadd.s32 $0xFFFFFEF7, lr;
	s5 =	simm.s32 $0xFFFFFFFF;
	p2 =	slt.u32 s8, $0xFFFFF086  }
0x1c: {  	p1 =	slt.u32 s9, $0xF7A;
	s5 =	simm.s32 @!p2 $0x0  }
0x1d: {  	s5 =	simm.s32 @p1 $0x1;
	p0 =	seq.s32 s7, s2  }
0x1e: {  	s7 =	smul.u32 @!p0 $0xF7A, s2;
	p2 =	seq.s32 @!p0 s5, $0x0  }
0x1f: {  	s9 =	smul.u32 $0xF7A, s1;
	s8 =	simm.s32 @!p0 $0x1BF5;
	p2 =	por !p2, p0  }
0x20: {  	[sflag:s8] =	ssyncset.s32 @!p0 $0xFFFFF086;
	s6 =	sadd.s32 @!p0 s3, s7;
	s7 =	simm.s32 @!p0 $0x108  }
0x21: {  	s3 =	sadd.s32 s3, s9;
	s6 =	sadd.s32 @!p0 $0x88, s6;
	s7 =	simm.s32 @p2 $0x1082  }
0x22: {  	[simem:s7], [sflag:s8] =	dma.local @!p0 [hbm:s6], $0xF7A  }
0x23: {  	s9 =	sor.u32 $0xD0000000, s2;
	s6 =	simm.s32 $0x108;
	_ =	swait.ge @!p0 [sflag:s8], $0x0  }
0x24: {  	s3 =	sadd.s32 $0x88, s3;
	s6 =	simm.s32 @!p1 $0x1082;
	[sflag:s4] =	ssyncset.s32 $0xFFFFF086  }
0x25: {  	[simem:s6], [sflag:s4] =	dma.local [hbm:s3], $0xF7A  }
0x26: {  	[smem:$0x3F9D] =	sst s1;
	(tag) =	ssettag s2;
	_ =	strace s9  }
0x27: {  	s1 =	sld [smem:$0x3FAD]  }
0x28: {  	s2 =	sld [smem:$0x3FAE]  }
0x29: {  	s4 =	sld [smem:$0x3FB0]  }
0x2a: {  	p0 =	seq.s32 s5, $0x0;
	s5 =	sld [smem:$0x3FB1]  }
0x2b: {  	s6 =	sld [smem:$0x3FB2]  }
0x2c: {  	s7 =	sld [smem:$0x3FB3]  }
0x2d: {  	s3 =	simm.s32 $0x108;
	s8 =	sld [smem:$0x3FB4]  }
0x2e: {  	s3 =	simm.s32 @!p0 $0x1082;
	s9 =	sld [smem:$0x3FB5]  }
0x2f: {  	lr =	sadd.s32 s0, s3;
	s0 =	sld [smem:$0x3FAC]  }
0x30: {  	s3 =	sld [smem:$0x3FAF]  }
0x31: {  	[smem:$0x3FB8] =	sst s10  }
0x32: {  	s10 =	sld [smem:$0x3FB6];
	_ =	sdelay $0x3  }
0x33: {  	p0 =	seq.s32 s10, $0x1;
	s10 =	sld [smem:$0x3FB8];
	_ =	sdelay $0x3  }
0x34: {  	[smem:$0x3FB8] =	sst s10  }
0x35: {  	s10 =	sld [smem:$0x3FB7];
	_ =	sdelay $0x3  }
0x36: {  	p1 =	seq.s32 s10, $0x1;
	s10 =	sld [smem:$0x3FB8];
	_ =	sdelay $0x3  }
0x37: {  	[smem:$0x3FB8] =	sst s10  }
0x38: {  	s10 =	sld [smem:$0x3FB9]  }
0x39: {  	_ = 	snop;
	(pc) =	sbr.ind lr, $3  }
0x3a: {  	_ = 	snop  }
0x3b: {  	_ = 	snop  }
0x3c: {  	p2 =	seq.s32 s10, $0x1;
	s10 =	sld [smem:$0x3FB8]  }
0x3d: {  	_ =	shalt  }
0x3e: {  	_ =	shalt  }
0x3f: {  	_ =	shalt  }
0x40: {  	_ =	shalt  }
0x41: {  	_ =	shalt  }
0x42: {  	_ =	shalt  }
0x43: {  	_ =	shalt  }
0x44: {  	_ =	shalt  }
0x45: {  	_ =	shalt  }
0x46: {  	_ =	shalt  }
0x47: {  	_ =	shalt  }
0x48: {  	_ =	shalt  }
0x49: {  	_ =	shalt  }
0x4a: {  	_ =	shalt  }
0x4b: {  	_ =	shalt  }
0x4c: {  	_ =	shalt  }
0x4d: {  	_ =	shalt  }
0x4e: {  	_ =	shalt  }
0x4f: {  	_ =	shalt  }
0x50: {  	_ =	shalt  }
0x51: {  	_ =	shalt  }
0x52: {  	_ =	shalt  }
0x53: {  	_ =	shalt  }
0x54: {  	_ =	shalt  }
0x55: {  	_ =	shalt  }
0x56: {  	_ =	shalt  }
0x57: {  	_ =	shalt  }
0x58: {  	_ =	shalt  }
0x59: {  	_ =	shalt  }
0x5a: {  	_ =	shalt  }
0x5b: {  	_ =	shalt  }
0x5c: {  	_ =	shalt  }
0x5d: {  	_ =	shalt  }
0x5e: {  	_ =	shalt  }
0x5f: {  	_ =	shalt  }
0x60: {  	_ =	shalt  }
0x61: {  	_ =	shalt  }
0x62: {  	_ =	shalt  }
0x63: {  	_ =	shalt  }
0x64: {  	_ =	shalt  }
0x65: {  	_ =	shalt  }
0x66: {  	_ =	shalt  }
0x67: {  	_ =	shalt  }
0x68: {  	_ =	shalt  }
0x69: {  	_ =	shalt  }
0x6a: {  	_ =	shalt  }
0x6b: {  	_ =	shalt  }
0x6c: {  	_ =	shalt  }
0x6d: {  	_ =	shalt  }
0x6e: {  	_ =	shalt  }
0x6f: {  	_ =	shalt  }
0x70: {  	_ =	shalt  }
0x71: {  	_ =	shalt  }
0x72: {  	_ =	shalt  }
0x73: {  	_ =	shalt  }
0x74: {  	_ =	shalt  }
0x75: {  	_ =	shalt  }
0x76: {  	_ =	shalt  }
0x77: {  	_ =	shalt  }
0x78: {  	_ =	shalt  }
0x79: {  	_ =	shalt  }
0x7a: {  	_ =	shalt  }
0x7b: {  	_ =	shalt  }
0x7c: {  	_ =	shalt  }
0x7d: {  	_ =	shalt  }
0x7e: {  	_ =	shalt  }
0x7f: {  	_ =	shalt  }
0x80: {  	_ =	shalt  }
0x81: {  	_ =	shalt  }
0x82: {  	_ =	shalt  }
0x83: {  	_ =	shalt  }
0x84: {  	_ =	shalt  }
0x85: {  	_ =	shalt  }
0x86: {  	_ =	shalt  }
0x87: {  	_ =	shalt  }
.Lfunc_end0:
.L_simem_size_0:
called_computation_lowered:
.L_overlay_start_0:
0x88: {  	s2 =	sld [smem:$0x3FD9]  }
0x89: {  	s3 =	sld [smem:$0x3FFE];
	_ =	sdelay $0x1  }
0x8a: {  	s1 =	srdreg.scid  }
0x8b: {  	s0 =	sand.u32 $0x1, s1  }
0x8c: {  	s16 =	sshll.u32 s0, $0xA;
	s2 =	sadd.s32 s3, s2  }
0x8d: {  	s2 =	sadd.s32 s2, s16  }
0x8e: {  	[smem:$0x3FC4] =	sst s2  }
0x8f: {  	_ = 	snop  }
0x90: {  	(tm) =	ssettm $0x1  }
0x91: {  	s17 =	sld [smem:$0x3FFB];
	_ =	sdelay $0x3  }
0x92: {  	_ =	strace s17  }
0x93: {  	s2 =	sld [smem:$0x3FFC];
	_ =	sdelay $0x3  }
0x94: {  	_ =	strace s2  }
0x95: {  	s2 =	sld [smem:$0x3FFD];
	_ =	sdelay $0x3  }
0x96: {  	_ =	strace s2  }
0x97: {  	_ =	strace $0x8FFFFFFF  }
0x98: {  	s18 =	sld [smem:$0x3FDB];
	_ =	sdelay $0x1  }
0x99: {  	s19 =	simm.s32 $_scs_section_size  }
0x9a: {  	s4 =	simm.s32 $_size__tile_overlayer_lowered;
	s5 =	simm.s32 $_tile_overlayer_lowered  }
0x9b: {  	s22 =	simm.s32 $0x1BFF;
	s21 =	sshll.u32 s5, $0x1;
	s2 =	sadd.s32 s19, s18  }
0x9c: {  	s6 =	simm.s32 $0x0;
	s20 =	sshll.u32 s4, $0x1;
	s4 =	sadd.s32 s21, s2  }
0x9d: {  	[timem:s6], [sflag:s22] =	dma.local [hbm:s4], s20  }
0x9e: {  	_ =	swait.ge [sflag:s22], s20  }
0x9f: {  	s3 =	ssub.s32 $0x0, s20;
	[sflag:s22] =	ssyncset.done $0x0  }
0xa0: {  	[sflag:s22] =	ssyncadd.s32 s3;
	_ =	sdelay $0x1  }
0xa1: {  	s23 =	simm.s32 $0x1B8B  }
0xa2: {  	_ =	swait.ge [sflag:s23], $0x1  }
0xa3: {  	[sflag:s23] =	ssyncset.done $0x0  }
0xa4: {  	s25 =	simm.s32 $0x1B8E;
	s24 =	sld [smem:$0x3FFE];
	[sflag:s23] =	ssyncadd.s32 $0xFFFFFFFF  }
0xa5: {  	s26 =	simm.s32 $execute0_lowered;
	[smem:$0x3FD2] =	sst s25  }
0xa6: {  	s4 =	sshll.u32 s26, $0x1;
	_ =	strace $0x80000046;
	[dreg:$0x1] =	wrdreg $0xFFFFFFFF  }
0xa7: {  	s28 =	simm.s32 $_size_execute0_lowered;
	s2 =	sadd.s32 s2, s4;
	[dreg:$0x0] =	wrdreg $0x0  }
0xa8: {  	s4 =	sshll.u32 s28, $0x1;
	[dreg:$0x2] =	wrdreg s2  }
0xa9: {  	[dreg:$0x3] =	wrdreg s4  }
0xaa: {  	[dreg:$0x4] =	wrdreg $0xC0  }
0xab: {  	_ =	task [dreg:s6], $0x5FFFF  }
0xac: {  	[dreg:$0x1] =	wrdreg $0xFFFFFFFF  }
0xad: {  	[dreg:$0x0] =	wrdreg $0x60  }
0xae: {  	[dreg:$0x2] =	wrdreg s24  }
0xaf: {  	[dreg:$0x3] =	wrdreg $0x9  }
0xb0: {  	_ =	task.clear_ibuf [dreg:s6], $0x4FFFF;
	_ =	strace $0x90000046  }
0xb1: {  	s29 =	simm.s32 $0x9;
	_ =	strace $0x80000048  }
0xb2: {  	_ =	swait.ge [sflag:s29], $0x1  }
0xb3: {  	[sflag:s29] =	ssyncadd.s32 $0xFFFFFFFF  }
0xb4: {  	_ =	strace $0x90000048  }
0xb5: {  	_ =	sfence  }
0xb6: {  	s30 =	sld [smem:$0x0];
	_ =	sdelay $0x2  }
0xb7: {  	s31 =	sshll.u32 s1, $0xD;
	s1 =	sshrl.u32 s1, $0x2  }
0xb8: {  	s3 =	sand.u32 $0x4000, s31;
	s1 =	sadd.s32 s1, s30  }
0xb9: {  	s0 =	sor.u32 s3, s0;
	s1 =	sshll.u32 s1, $0x11  }
0xba: {  	s0 =	sor.u32 s1, s0  }
0xbb: {  	s0 =	sadd.s32 $0x8F2B, s0  }
0xbc: {  	[sflag:s0] =	ssyncadd.remote.s32 $0x1  }
0xbd: {  	_ =	sfence.sel $0xFFFF  }
0xbe: {  	[dreg:$0x0] =	wrdreg $0xFFFFFFFF;
	(pc) =	sbr.abs _section_cstart, $3  }
0xbf: {  	[dreg:$0x1] =	wrdreg $0xFFFFFFFF  }
0xc0: {  	_ =	task.clear_ibuf [dreg:s6], $0x2FFFF;
	_ =	strace $0x9FFFFFFF  }
0xc1: {  	(tm) =	ssettm $0x7FFFFFFF  }
tec
execute0_lowered:
.L_overlay_start_1:
0x0: {  	(tag) =	ssettag $0x1  }
0x1: {  	s5 =	rddreg [dreg:$0x0]  }
0x2: {  	s0 =	rddreg [dreg:$0x1]  }
0x3: {  	s3 =	srdreg.scid;
	s2 =	simm.s32 $0x0;
	s1 =	stileid.u32  }
0x4: {  	s15 =	simm.s32 $0x2;
	s16 =	simm.s32 $0x5000;
	s17 =	simm.s32 $0x20  }
0x5: {  	s18 =	simm.s32 $0x5020;
	s19 =	simm.s32 $0x1;
	s20 =	simm.s32 $0x5220  }
0x6: {  	v0 =	vlaneseq.u32;
	s21 =	simm.s32 $0x0;
	s6 =	sand.u32 $0x1, s3;
	[smem:$0x7FF] =	sst s2  }
0x7: {  	s29 =	sshll.u32 s1, $0x6;
	s3 =	sadd.s32 $0xE00, s5;
	v1 =	vmul.u32 $0x10, v0;
	s4 =	sshll.u32 s6, $0x5  }
0x8: {  	_ =	strace $0x80000047;
	s6 =	ssub.s32 $0x2, s6;
	s7 =	sor.u32 s4, s29  }
0x9: {  	v4 =	vimm.s32 $0x0;
	s4 =	sadd.s32 $0x1800, s5;
	s30 =	sshrl.u32 s6, $0x1;
	v5 =	vor.u32 $0x100, v1;
	v6 =	vor.u32 $0x1, v1;
	s8 =	sshll.u32 s7, $0x1  }
0xa: {  	v7 =	vor.u32 $0x101, v1;
	v8 =	vor.u32 $0x2, v1;
	v9 =	vor.u32 $0x102, v1;
	s9 =	sshrl.u32 s7, $0x3;
	s31 =	sadd.s32 $0x20, s7;
	s14 =	ssub.s32 s6, s30  }
0xb: {  	v10 =	vor.u32 $0x3, v1;
	v11 =	vor.u32 $0x103, v1;
	v12 =	vor.u32 $0x4, v1;
	s8 =	sadd.s32 s8, s5;
	s13 =	sadd.s32 s9, s5;
	s14 =	smax.u32 s14, $0x1  }
0xc: {  	v13 =	vor.u32 $0x104, v1;
	v14 =	vor.u32 $0x5, v1;
	v2 =	vmov s7;
	s5 =	sadd.s32 $0xBA00, s8;
	s6 =	sadd.s32 $0xB600, s13;
	s7 =	sadd.s32 $0xB680, s13  }
0xd: {  	v15 =	vor.u32 $0x105, v1;
	v16 =	vor.u32 $0x6, v1;
	v17 =	vor.u32 $0x106, v1;
	s8 =	sadd.s32 $0xB700, s13;
	s9 =	sadd.s32 $0xB780, s13;
	s10 =	sadd.s32 $0xB800, s13  }
0xe: {  	v18 =	vor.u32 $0x7, v1;
	v19 =	vor.u32 $0x107, v1;
	v3 =	vmov s31;
	s11 =	sadd.s32 $0xB880, s13;
	s12 =	sadd.s32 $0xB900, s13;
	s13 =	sadd.s32 $0xB980, s13  }
.LBB2_1:
0xf: {  	[tilespmem:s2], [sflag:$0x2] =	stream.linear.gather [hbm4b:s3+s2], $0x5000, $0x38;
	[tilespmem:$0x5240] =	vst v63  }
0x10: {  	_ =	swait.ge [sflag:s15], $0x5000  }
0x11: {  	[sflag:s15] =	ssyncset.done $0x0  }
0x12: {  	[sflag:s15] =	ssyncadd.s32 $0xFFFFB000  }
0x13: {  	[tilespmem:$0x5000] =	vst v4  }
0x14: {  	[tilespmem:$0x5010] =	vst v4  }
0x15: {  	s23 =	simm.s32 $0x10;
	s22 =	simm.s32 $0x0;
	s24 =	simm.s32 $0x0;
	v20 =	vld [tilespmem:s2+$0x0]  }
.LBB2_2:
0x16: {  	p0 =	sne.s32 s23, $0x4FF0;
	_ =	sdelay $0x3  }
0x17: {  	v21 =	vsub.s32 v20, v2  }
0x18: {  	vm0 =	vge.s32 v20, v2;
	vm1 =	vlt.s32 v20, v3;
	vm2 =	vgt.s32 v21, $0x0  }
0x19: {  	vm0 =	vmand vm0, vm1;
	v20 =	vnsel vm2, $0x0, v21  }
0x1a: {  	v20 =	vmin.u32 v20, $0x1F;
	_ =	sdelay $0x1  }
.Ltmp0:
0x1b: {  	(pc) =	sbr.rel @p0 .LBB2_2-.Ltmp0, $4  }
0x1c: {  	_ = 	snop  }
0x1d: {  	v21 =	vor.u32 s22, v0;
	s22 =	smov.u32 s23  }
0x1e: {  	s24 =	sadd.s32 $0x10, s24;
	[tilespmem:v20+s16+$0x0] =	vst.idx.msk vm0, v21  }
0x1f: {  	s23 =	sadd.s32 $0x10, s23;
	v20 =	vld [tilespmem:s24+$0x0]  }
0x20: {  	_ =	sdelay $0x3  }
0x21: {  	v21 =	vsub.s32 v20, v2  }
0x22: {  	vm0 =	vge.s32 v20, v2;
	vm1 =	vlt.s32 v20, v3;
	vm2 =	vgt.s32 v21, $0x0  }
0x23: {  	vm0 =	vmand vm0, vm1;
	v20 =	vnsel vm2, $0x0, v21  }
0x24: {  	v20 =	vmin.u32 v20, $0x1F;
	_ =	sdelay $0x3  }
0x25: {  	v55 =	vor.u32 s22, v0  }
0x26: {  	[tilespmem:v20+s16+$0x0] =	vst.idx.msk vm0, v55  }
0x27: {  	[tilespmem:s18], [sflag:$0x1] =	stream.indirect.gather [hbm4b:s4+s17], $0x10, s16, s17, $0xb8;
	[tilespmem:$0x5240] =	vst v63  }
0x28: {  	_ =	swait.ge [sflag:s19], $0x200  }
0x29: {  	[sflag:s19] =	ssyncset.done $0x0  }
0x2a: {  	[sflag:s19] =	ssyncadd.s32 $0xFFFFFE00  }
0x2b: {  	[hbm4b:s5+s2] =	stream.linear.scatter [tilespmem:s18], [sflag:$0x2], $0x200, $0x38;
	[tilespmem:$0x5240] =	vst v63  }
0x2c: {  	_ =	swait.ge [sflag:s15], $0x200  }
0x2d: {  	[sflag:s15] =	ssyncset.done $0x0  }
0x2e: {  	[sflag:s15] =	ssyncadd.s32 $0xFFFFFE00  }
0x2f: {  	v20 =	vld.idx.msk [tilespmem:v1+s18+$0x0], $0xffff  }
0x30: {  	v56 =	vld.idx.msk [tilespmem:v5+s18+$0x0], $0xffff;
	_ =	sdelay $0x3  }
0x31: {  	[tilespmem:$0x5220] =	vst v20  }
0x32: {  	[tilespmem:$0x5230] =	vst v56  }
0x33: {  	[hbm4b:s6+s2] =	stream.linear.scatter [tilespmem:s20], [sflag:$0x2], $0x20, $0x38;
	[tilespmem:$0x5240] =	vst v63  }
0x34: {  	_ =	swait.ge [sflag:s15], $0x20  }
0x35: {  	[sflag:s15] =	ssyncset.done $0x0  }
0x36: {  	[sflag:s15] =	ssyncadd.s32 $0xFFFFFFE0  }
0x37: {  	v20 =	vld.idx.msk [tilespmem:v6+s18+$0x0], $0xffff  }
0x38: {  	v57 =	vld.idx.msk [tilespmem:v7+s18+$0x0], $0xffff;
	_ =	sdelay $0x3  }
0x39: {  	[tilespmem:$0x5220] =	vst v20  }
0x3a: {  	[tilespmem:$0x5230] =	vst v57  }
0x3b: {  	[hbm4b:s7+s2] =	stream.linear.scatter [tilespmem:s20], [sflag:$0x2], $0x20, $0x38;
	[tilespmem:$0x5240] =	vst v63  }
0x3c: {  	_ =	swait.ge [sflag:s15], $0x20  }
0x3d: {  	[sflag:s15] =	ssyncset.done $0x0  }
0x3e: {  	[sflag:s15] =	ssyncadd.s32 $0xFFFFFFE0  }
0x3f: {  	v20 =	vld.idx.msk [tilespmem:v8+s18+$0x0], $0xffff  }
0x40: {  	v58 =	vld.idx.msk [tilespmem:v9+s18+$0x0], $0xffff;
	_ =	sdelay $0x3  }
0x41: {  	[tilespmem:$0x5220] =	vst v20  }
0x42: {  	[tilespmem:$0x5230] =	vst v58  }
0x43: {  	[hbm4b:s8+s2] =	stream.linear.scatter [tilespmem:s20], [sflag:$0x2], $0x20, $0x38;
	[tilespmem:$0x5240] =	vst v63  }
0x44: {  	_ =	swait.ge [sflag:s15], $0x20  }
0x45: {  	[sflag:s15] =	ssyncset.done $0x0  }
0x46: {  	[sflag:s15] =	ssyncadd.s32 $0xFFFFFFE0  }
0x47: {  	v20 =	vld.idx.msk [tilespmem:v10+s18+$0x0], $0xffff  }
0x48: {  	v59 =	vld.idx.msk [tilespmem:v11+s18+$0x0], $0xffff;
	_ =	sdelay $0x3  }
0x49: {  	[tilespmem:$0x5220] =	vst v20  }
0x4a: {  	[tilespmem:$0x5230] =	vst v59  }
0x4b: {  	[hbm4b:s9+s2] =	stream.linear.scatter [tilespmem:s20], [sflag:$0x2], $0x20, $0x38;
	[tilespmem:$0x5240] =	vst v63  }
0x4c: {  	_ =	swait.ge [sflag:s15], $0x20  }
0x4d: {  	[sflag:s15] =	ssyncset.done $0x0  }
0x4e: {  	[sflag:s15] =	ssyncadd.s32 $0xFFFFFFE0  }
0x4f: {  	v20 =	vld.idx.msk [tilespmem:v12+s18+$0x0], $0xffff  }
0x50: {  	v60 =	vld.idx.msk [tilespmem:v13+s18+$0x0], $0xffff;
	_ =	sdelay $0x3  }
0x51: {  	[tilespmem:$0x5220] =	vst v20  }
0x52: {  	[tilespmem:$0x5230] =	vst v60  }
0x53: {  	[hbm4b:s10+s2] =	stream.linear.scatter [tilespmem:s20], [sflag:$0x2], $0x20, $0x38;
	[tilespmem:$0x5240] =	vst v63  }
0x54: {  	_ =	swait.ge [sflag:s15], $0x20  }
0x55: {  	[sflag:s15] =	ssyncset.done $0x0  }
0x56: {  	[sflag:s15] =	ssyncadd.s32 $0xFFFFFFE0  }
0x57: {  	v20 =	vld.idx.msk [tilespmem:v14+s18+$0x0], $0xffff  }
0x58: {  	v61 =	vld.idx.msk [tilespmem:v15+s18+$0x0], $0xffff;
	_ =	sdelay $0x3  }
0x59: {  	[tilespmem:$0x5220] =	vst v20  }
0x5a: {  	[tilespmem:$0x5230] =	vst v61  }
0x5b: {  	[hbm4b:s11+s2] =	stream.linear.scatter [tilespmem:s20], [sflag:$0x2], $0x20, $0x38;
	[tilespmem:$0x5240] =	vst v63  }
0x5c: {  	_ =	swait.ge [sflag:s15], $0x20  }
0x5d: {  	[sflag:s15] =	ssyncset.done $0x0  }
0x5e: {  	[sflag:s15] =	ssyncadd.s32 $0xFFFFFFE0  }
0x5f: {  	v20 =	vld.idx.msk [tilespmem:v16+s18+$0x0], $0xffff  }
0x60: {  	v62 =	vld.idx.msk [tilespmem:v17+s18+$0x0], $0xffff;
	_ =	sdelay $0x3  }
0x61: {  	[tilespmem:$0x5220] =	vst v20  }
0x62: {  	[tilespmem:$0x5230] =	vst v62  }
0x63: {  	[hbm4b:s12+s2] =	stream.linear.scatter [tilespmem:s20], [sflag:$0x2], $0x20, $0x38;
	[tilespmem:$0x5240] =	vst v63  }
0x64: {  	_ =	swait.ge [sflag:s15], $0x20  }
0x65: {  	[sflag:s15] =	ssyncset.done $0x0  }
0x66: {  	[sflag:s15] =	ssyncadd.s32 $0xFFFFFFE0  }
0x67: {  	v20 =	vld.idx.msk [tilespmem:v18+s18+$0x0], $0xffff  }
0x68: {  	v63 =	vld.idx.msk [tilespmem:v19+s18+$0x0], $0xffff;
	_ =	sdelay $0x2  }
0x69: {  	s21 =	sadd.s32 $0x1, s21  }
0x6a: {  	p0 =	sne.s32 s21, s14;
	[tilespmem:$0x5220] =	vst v20  }
.Ltmp1:
0x6b: {  	[tilespmem:$0x5230] =	vst v63;
	(pc) =	sbr.rel @p0 .LBB2_1-.Ltmp1, $4  }
0x6c: {  	[hbm4b:s13+s2] =	stream.linear.scatter [tilespmem:s20], [sflag:$0x2], $0x20, $0x38;
	[tilespmem:$0x5240] =	vst v63  }
0x6d: {  	_ =	swait.ge [sflag:s15], $0x20  }
0x6e: {  	[sflag:s15] =	ssyncset.done $0x0  }
0x6f: {  	[sflag:s15] =	ssyncadd.s32 $0xFFFFFFE0  }
0x70: {  	_ =	sfence.sel $0x180000  }
0x71: {  	[bflag:$0x0] =	sbarrier.arrive $0xFFFF  }
0x72: {  	p0 =	sne.s32 s1, $0x0;
	_ =	strace $0x90000047  }
0x73: {  	s0 =	sadd.s32 @!p0 $0x100000, s0;
	[bflag:$0x2] =	sbarrier.arrive $0xFFFF  }
0x74: {  	[sflag:s0] =	ssyncadd.tile.s32 @!p0 $0x1;
	_ =	shalt  }
.Lfunc_end2:
_tile_overlayer_lowered:
.L_overlay_start_2:
0x75: {  	(tag) =	ssettag $0x2  }
0x76: {  	s0 =	rddreg [dreg:$0x0];
	s2 =	stileid.u32  }
0x77: {  	s1 =	rddreg [dreg:$0x1];
	p0 =	sne.s32 s2, $0x0  }
0x78: {  	s3 =	rddreg [dreg:$0x2];
	[bflag:$0x3] =	sbarrier.arrive $0xFFFF;
	s2 =	simm.s32 @!p0 $0x1C02  }
0x79: {  	[timem:s3], [sflag:s2] =	dma.local @!p0 [hbm:s0], s1  }
0x7a: {  	s0 =	simm.s32 @!p0 $0x2  }
0x7b: {  	_ =	swait.ge @!p0 [sflag:s0], s1  }
0x7c: {  	s1 =	ssub.s32 @!p0 $0x0, s1;
	[sflag:s0] =	ssyncset.done @!p0 $0x0  }
0x7d: {  	[sflag:s0] =	ssyncadd.s32 @!p0 s1  }
0x7e: {  	[bflag:$0x3] =	sbarrier.arrive $0xFFFF  }
0x7f: {  	_ =	shalt  }

</sc_bundles>
